<compile_context>
chip_gen: v7x
topology: tpu7x:2x2x1
jax: 0.10.2.dev20260603
libtpu: 0.0.44.dev20260713+nightly
codegen_flags: <defaults>
</compile_context>

<pallas_src>
import functools

import jax
import jax.numpy as jnp
from jax import lax
from jax.experimental import pallas as pl
from jax.experimental.pallas import tpu as pltpu
from jax.experimental.pallas import tpu_sc as plsc

_N = 10000
_E = 320000
_D = 128
_G = 64
_C = 16

_NC = 2
_NS = 16
_NW = _NC * _NS
_CHUNK = 128
_NCHUNK = 79
_EPT = _CHUNK * _NCHUNK
_EPAD = _EPT * _NW
_RPT = 632
_NPAD = _RPT * _NS

def _sc_agg_body(src_hbm, dst_hbm, x_hbm, zeros_hbm, out_hbm, acc, src_v,
                 dst_v, rows_v):
    c = lax.axis_index("c")
    s = lax.axis_index("s")
    r0 = s * _RPT
    wid = c * _NS + s
    base = wid * _EPT
    pltpu.sync_copy(zeros_hbm.at[pl.ds(r0, _RPT)], acc.at[pl.ds(r0, _RPT)])
    plsc.subcore_barrier()

    pltpu.sync_copy(src_hbm.at[wid], src_v)
    pltpu.sync_copy(dst_hbm.at[wid], dst_v)

    def chunk(j, carry):
        pltpu.sync_copy(x_hbm.at[src_v.at[j]], rows_v)
        pltpu.sync_copy(rows_v, acc.at[dst_v.at[j]], add=True)
        return carry

    lax.fori_loop(0, _NCHUNK, chunk, 0)
    plsc.subcore_barrier()
    pltpu.sync_copy(acc.at[pl.ds(r0, _RPT)], out_hbm.at[c, pl.ds(r0, _RPT)])


@functools.cache
def _get_sc_agg():
    mesh = plsc.VectorSubcoreMesh(
        core_axis_name="c", subcore_axis_name="s",
        num_cores=_NC, num_subcores=_NS)
    return pl.kernel(
        _sc_agg_body,
        out_type=jax.ShapeDtypeStruct((_NC, _NPAD, _D), jnp.float32),
        mesh=mesh,
        scratch_types=[
            pltpu.VMEM_SHARED((_NPAD, _D), jnp.float32),
            pltpu.VMEM((_NCHUNK, _CHUNK), jnp.int32),
            pltpu.VMEM((_NCHUNK, _CHUNK), jnp.int32),
            pltpu.VMEM((_CHUNK, _D), jnp.float32),
        ],
    )


_BLK = 512
_NBLK = 20


def _mlp_body(x_ref, agg_ref, wa_ref, ba_ref, wb_ref, bb_ref, out_ref):
    hp = x_ref[...] + agg_ref[0] + agg_ref[1]
    h = jnp.dot(hp, wa_ref[...], preferred_element_type=jnp.float32,
                precision=lax.Precision.HIGHEST) + ba_ref[...]
    h = jnp.maximum(h, 0.0)
    out_ref[...] = jnp.dot(h, wb_ref[...], preferred_element_type=jnp.float32,
                           precision=lax.Precision.HIGHEST) + bb_ref[...]


def _mlp(x, agg, wa, ba, wb, bb):
    return pl.pallas_call(
        _mlp_body,
        grid=(_NBLK,),
        in_specs=[
            pl.BlockSpec((_BLK, _D), lambda i: (i, 0)),
            pl.BlockSpec((_NC, _BLK, _D), lambda i: (0, i, 0)),
            pl.BlockSpec((_D, _D), lambda i: (0, 0)),
            pl.BlockSpec((1, _D), lambda i: (0, 0)),
            pl.BlockSpec((_D, _D), lambda i: (0, 0)),
            pl.BlockSpec((1, _D), lambda i: (0, 0)),
        ],
        out_specs=pl.BlockSpec((_BLK, _D), lambda i: (i, 0)),
        out_shape=jax.ShapeDtypeStruct((_N, _D), jnp.float32),
    )(x, agg, wa, ba.reshape(1, _D), wb, bb.reshape(1, _D))


def _pool_body(h_ref, agg_ref, w3_ref, b3_ref, w4_ref, b4_ref, batch_ref,
               wf1_ref, bf1_ref, wf2_ref, bf2_ref, out_ref, acc_ref):
    i = pl.program_id(0)

    @pl.when(i == 0)
    def _():
        acc_ref[...] = jnp.full((_G, _D), -jnp.inf, jnp.float32)

    hp = h_ref[...] + agg_ref[0] + agg_ref[1]
    h = jnp.dot(hp, w3_ref[...], preferred_element_type=jnp.float32,
                precision=lax.Precision.HIGHEST) + b3_ref[...]
    h = jnp.maximum(h, 0.0)
    h2 = jnp.dot(h, w4_ref[...], preferred_element_type=jnp.float32,
                 precision=lax.Precision.HIGHEST) + b4_ref[...]

    b = batch_ref[0]
    g_lo = jnp.min(b)
    g_hi = jnp.minimum(jnp.max(b), _G - 1)

    def gbody(g, carry):
        m = b == g
        vals = jnp.where(m, h2, -jnp.inf)
        gm = jnp.max(vals, axis=0, keepdims=True)
        acc_ref[pl.ds(g, 1), :] = jnp.maximum(acc_ref[pl.ds(g, 1), :], gm)
        return carry

    lax.fori_loop(g_lo, g_hi + 1, gbody, 0)

    @pl.when(i == _NBLK - 1)
    def _():
        pooled = acc_ref[...]
        z = jnp.dot(pooled, wf1_ref[...], preferred_element_type=jnp.float32,
                    precision=lax.Precision.HIGHEST) + bf1_ref[...]
        z = jnp.maximum(z, 0.0)
        z = jnp.dot(z, wf2_ref[...], preferred_element_type=jnp.float32,
                    precision=lax.Precision.HIGHEST) + bf2_ref[...]
        zm = jnp.max(z, axis=1, keepdims=True)
        e = z - zm
        out_ref[...] = e - jnp.log(jnp.sum(jnp.exp(e), axis=1, keepdims=True))


def _pool(h, agg, w3, b3, w4, b4, batch3d, wf1, bf1, wf2, bf2):
    return pl.pallas_call(
        _pool_body,
        grid=(_NBLK,),
        in_specs=[
            pl.BlockSpec((_BLK, _D), lambda i: (i, 0)),
            pl.BlockSpec((_NC, _BLK, _D), lambda i: (0, i, 0)),
            pl.BlockSpec((_D, _D), lambda i: (0, 0)),
            pl.BlockSpec((1, _D), lambda i: (0, 0)),
            pl.BlockSpec((_D, _D), lambda i: (0, 0)),
            pl.BlockSpec((1, _D), lambda i: (0, 0)),
            pl.BlockSpec((1, _BLK, 1), lambda i: (i, 0, 0)),
            pl.BlockSpec((_D, _G), lambda i: (0, 0)),
            pl.BlockSpec((1, _G), lambda i: (0, 0)),
            pl.BlockSpec((_G, _C), lambda i: (0, 0)),
            pl.BlockSpec((1, _C), lambda i: (0, 0)),
        ],
        out_specs=pl.BlockSpec((_G, _C), lambda i: (0, 0)),
        out_shape=jax.ShapeDtypeStruct((_G, _C), jnp.float32),
        scratch_shapes=[pltpu.VMEM((_G, _D), jnp.float32)],
    )(h, agg, w3, b3.reshape(1, _D), w4, b4.reshape(1, _D), batch3d,
      wf1, bf1.reshape(1, _G), wf2, bf2.reshape(1, _C))


def kernel(x, edge_index, batch, W1, b1, W2, b2, W3, b3, W4, b4, Wf1, bf1,
           Wf2, bf2):
    src = edge_index[0]
    dst = edge_index[1]
    pad = _EPAD - _E
    src_p = jnp.concatenate(
        [src, jnp.zeros((pad,), jnp.int32)]).reshape(_NW, _NCHUNK, _CHUNK)
    dst_p = jnp.concatenate(
        [dst, jnp.full((pad,), _N, jnp.int32)]).reshape(_NW, _NCHUNK, _CHUNK)
    zeros = jnp.zeros((_NPAD, _D), jnp.float32)
    batch_p = jnp.concatenate(
        [batch, jnp.full((_NBLK * _BLK - _N,), _G, jnp.int32)]
    ).reshape(_NBLK, _BLK, 1)

    sc_agg = _get_sc_agg()
    agg1 = sc_agg(src_p, dst_p, x, zeros)
    h1 = _mlp(x, agg1, W1, b1, W2, b2)
    agg2 = sc_agg(src_p, dst_p, h1, zeros)
    return _pool(h1, agg2, W3, b3, W4, b4, batch_p, Wf1, bf1, Wf2, bf2)

# --- scband reference (transcript-rebuilt; emitter-appended) ---
"""Pipeline reference for scband-ginnet-9208409883137 (READ-ONLY COPY).

The authoritative reference and input builder live on the scoring server;
editing this copy changes nothing except your own understanding.
"""

import jax, jax.numpy as jnp
import numpy as np

N = 10000
E = 320000
D = 128
NUM_CLASSES = 16
NUM_GRAPHS = 64


def setup_inputs(seed: int = 0) -> dict:
    key = jax.random.key(seed)
    ks = jax.random.split(key, 16)
    x = jax.random.normal(ks[0], (N, D), dtype=jnp.float32)
    edge_index = jax.random.randint(ks[1], (2, E), 0, N, dtype=jnp.int32)
    batch = jnp.sort(jax.random.randint(ks[2], (N,), 0, NUM_GRAPHS, dtype=jnp.int32))
    s = 1.0 / np.sqrt(D)
    W1 = jax.random.normal(ks[3], (D, D), dtype=jnp.float32) * s
    b1 = jnp.zeros((D,), dtype=jnp.float32)
    W2 = jax.random.normal(ks[4], (D, D), dtype=jnp.float32) * s
    b2 = jnp.zeros((D,), dtype=jnp.float32)
    W3 = jax.random.normal(ks[5], (D, D), dtype=jnp.float32) * s
    b3 = jnp.zeros((D,), dtype=jnp.float32)
    W4 = jax.random.normal(ks[6], (D, D), dtype=jnp.float32) * s
    b4 = jnp.zeros((D,), dtype=jnp.float32)
    Wf1 = jax.random.normal(ks[7], (D, 64), dtype=jnp.float32) * s
    bf1 = jnp.zeros((64,), dtype=jnp.float32)
    Wf2 = jax.random.normal(ks[8], (64, NUM_CLASSES), dtype=jnp.float32) * (1.0 / np.sqrt(64))
    bf2 = jnp.zeros((NUM_CLASSES,), dtype=jnp.float32)
    return {"x": x, "edge_index": edge_index, "batch": batch,
            "W1": W1, "b1": b1, "W2": W2, "b2": b2,
            "W3": W3, "b3": b3, "W4": W4, "b4": b4,
            "Wf1": Wf1, "bf1": bf1, "Wf2": Wf2, "bf2": bf2}


def _gin_conv(x, src, dst, Wa, ba, Wb, bb):
    # GIN aggregation: (1 + eps) * x + sum of neighbor messages, eps = 0
    agg = jnp.zeros_like(x).at[dst].add(x[src])
    h = x + agg
    h = jax.nn.relu(h @ Wa + ba)
    h = h @ Wb + bb
    return h


def reference(x, edge_index, batch, W1, b1, W2, b2, W3, b3, W4, b4, Wf1, bf1, Wf2, bf2):
    src = edge_index[0]
    dst = edge_index[1]
    h = _gin_conv(x, src, dst, W1, b1, W2, b2)
    h = _gin_conv(h, src, dst, W3, b3, W4, b4)
    pooled = jax.ops.segment_max(h, batch, num_segments=NUM_GRAPHS)
    z = jax.nn.relu(pooled @ Wf1 + bf1)
    z = z @ Wf2 + bf2
    return jax.nn.log_softmax(z, axis=1)

if __name__ == "__main__":
    import jax
    _d = setup_inputs()
    print(jax.jit(kernel)(*tuple(_d.values())))

</pallas_src>

<mosaic_0001>
#map = affine_map<(d0, d1) -> (0, 0, 0)>
#map1 = affine_map<(d0, d1) -> (0, 0)>
module attributes {stable_mosaic.version = 14 : i64} {
  func.func @_sc_agg_body(%arg0: i32, %arg1: i32, %arg2: memref<32x79x128xi32, #tpu.memory_space<hbm>>, %arg3: memref<32x79x128xi32, #tpu.memory_space<hbm>>, %arg4: memref<10000x128xf32, #tpu.memory_space<hbm>>, %arg5: memref<10112x128xf32, #tpu.memory_space<hbm>>, %arg6: memref<2x10112x128xf32, #tpu.memory_space<hbm>>, %arg7: memref<10112x128xf32, #tpu.memory_space<vmem_shared>>, %arg8: memref<79x128xi32, #tpu.memory_space<vmem>>, %arg9: memref<79x128xi32, #tpu.memory_space<vmem>>, %arg10: memref<128x128xf32, #tpu.memory_space<vmem>>) attributes {dimension_semantics = [#tpu.dimension_semantics<core_parallel>, #tpu.dimension_semantics<subcore_parallel>], iteration_bounds = array<i64: 2, 16>, scalar_prefetch = 0 : i64, scratch_operands = 4 : i64, tpu.core_type = #tpu.core_type<sc_vector_subcore>, window_params = [{transform_indices = #map}, {transform_indices = #map}, {transform_indices = #map1}, {transform_indices = #map1}, {transform_indices = #map}]} {
    %mul3A = arith.constant 632 : i32
    %mul3A_0 = arith.muli %arg1, %mul3A : i32
    %mul3A_1 = arith.constant 16 : i32
    %mul3A_2 = arith.muli %arg0, %mul3A_1 : i32
    %add3A = arith.addi %mul3A_2, %arg1 : i32
    %mul3A_3 = arith.constant 10112 : i32
    %mul3A_4 = arith.muli %add3A, %mul3A_3 : i32
    "tpu.region"() ({
      %run_scoped3A = tpu.sem_alloc : memref<!tpu.dma_semaphore, #tpu.memory_space<semaphore_mem>>
      %dma_start3A = arith.constant 0 : i32
      %dma_start3A_11 = tpu.memref_slice %arg7[%mul3A_0, %dma_start3A] : memref<10112x128xf32, #tpu.memory_space<vmem_shared>> -> memref<632x128xf32, #tpu.memory_space<vmem_shared>>
      %dma_start3A_12 = arith.constant 0 : i32
      %dma_start3A_13 = tpu.memref_slice %arg5[%mul3A_0, %dma_start3A_12] : memref<10112x128xf32, #tpu.memory_space<hbm>> -> memref<632x128xf32, #tpu.memory_space<hbm>>
      tpu.enqueue_dma source(%dma_start3A_13 : memref<632x128xf32, #tpu.memory_space<hbm>>) target(%dma_start3A_11 : memref<632x128xf32, #tpu.memory_space<vmem_shared>>) target_semaphore(%run_scoped3A : memref<!tpu.dma_semaphore, #tpu.memory_space<semaphore_mem>>)
      %dma_wait3A = arith.constant 0 : i32
      %dma_wait3A_14 = tpu.memref_slice %arg7[%mul3A_0, %dma_wait3A] : memref<10112x128xf32, #tpu.memory_space<vmem_shared>> -> memref<632x128xf32, #tpu.memory_space<vmem_shared>>
      %dma_wait3A_15 = arith.constant 0 : i32
      %dma_wait3A_16 = tpu.memref_slice %arg5[%mul3A_0, %dma_wait3A_15] : memref<10112x128xf32, #tpu.memory_space<hbm>> -> memref<632x128xf32, #tpu.memory_space<hbm>>
      tpu.wait_dma2 semaphore(%run_scoped3A : memref<!tpu.dma_semaphore, #tpu.memory_space<semaphore_mem>>) src(%dma_wait3A_16 : memref<632x128xf32, #tpu.memory_space<hbm>>) dst(%dma_wait3A_14 : memref<632x128xf32, #tpu.memory_space<vmem_shared>>)
      tpu.yield
    }) : () -> ()
    %barrier3A = arith.constant 0 : index
    tpu.barrier barrier_id(%barrier3A)
    "tpu.region"() ({
      %run_scoped3A = tpu.sem_alloc : memref<!tpu.dma_semaphore, #tpu.memory_space<semaphore_mem>>
      %dma_start3A = arith.constant 0 : i32
      %dma_start3A_11 = arith.constant 0 : i32
      %dma_start3A_12 = tpu.memref_slice %arg2[%add3A, %dma_start3A, %dma_start3A_11] : memref<32x79x128xi32, #tpu.memory_space<hbm>> -> memref<1x79x128xi32, #tpu.memory_space<hbm>>
      %dma_start3A_13 = tpu.memref_squeeze %dma_start3A_12 : memref<1x79x128xi32, #tpu.memory_space<hbm>> -> memref<79x128xi32, #tpu.memory_space<hbm>>
      %dma_start3A_14 = arith.constant 0 : i32
      %dma_start3A_15 = arith.constant 0 : i32
      %dma_start3A_16 = tpu.memref_slice %arg2[%add3A, %dma_start3A_14, %dma_start3A_15] : memref<32x79x128xi32, #tpu.memory_space<hbm>> -> memref<1x79x128xi32, #tpu.memory_space<hbm>>
      %dma_start3A_17 = tpu.memref_squeeze %dma_start3A_16 : memref<1x79x128xi32, #tpu.memory_space<hbm>> -> memref<79x128xi32, #tpu.memory_space<hbm>>
      tpu.enqueue_dma source(%dma_start3A_17 : memref<79x128xi32, #tpu.memory_space<hbm>>) target(%arg8 : memref<79x128xi32, #tpu.memory_space<vmem>>) target_semaphore(%run_scoped3A : memref<!tpu.dma_semaphore, #tpu.memory_space<semaphore_mem>>)
      %dma_wait3A = arith.constant 0 : i32
      %dma_wait3A_18 = arith.constant 0 : i32
      %dma_wait3A_19 = tpu.memref_slice %arg2[%add3A, %dma_wait3A, %dma_wait3A_18] : memref<32x79x128xi32, #tpu.memory_space<hbm>> -> memref<1x79x128xi32, #tpu.memory_space<hbm>>
      %dma_wait3A_20 = tpu.memref_squeeze %dma_wait3A_19 : memref<1x79x128xi32, #tpu.memory_space<hbm>> -> memref<79x128xi32, #tpu.memory_space<hbm>>
      %dma_wait3A_21 = arith.constant 0 : i32
      %dma_wait3A_22 = arith.constant 0 : i32
      %dma_wait3A_23 = tpu.memref_slice %arg2[%add3A, %dma_wait3A_21, %dma_wait3A_22] : memref<32x79x128xi32, #tpu.memory_space<hbm>> -> memref<1x79x128xi32, #tpu.memory_space<hbm>>
      %dma_wait3A_24 = tpu.memref_squeeze %dma_wait3A_23 : memref<1x79x128xi32, #tpu.memory_space<hbm>> -> memref<79x128xi32, #tpu.memory_space<hbm>>
      tpu.wait_dma2 semaphore(%run_scoped3A : memref<!tpu.dma_semaphore, #tpu.memory_space<semaphore_mem>>) src(%dma_wait3A_24 : memref<79x128xi32, #tpu.memory_space<hbm>>) dst(%arg8 : memref<79x128xi32, #tpu.memory_space<vmem>>)
      tpu.yield
    }) : () -> ()
    "tpu.region"() ({
      %run_scoped3A = tpu.sem_alloc : memref<!tpu.dma_semaphore, #tpu.memory_space<semaphore_mem>>
      %dma_start3A = arith.constant 0 : i32
      %dma_start3A_11 = arith.constant 0 : i32
      %dma_start3A_12 = tpu.memref_slice %arg3[%add3A, %dma_start3A, %dma_start3A_11] : memref<32x79x128xi32, #tpu.memory_space<hbm>> -> memref<1x79x128xi32, #tpu.memory_space<hbm>>
      %dma_start3A_13 = tpu.memref_squeeze %dma_start3A_12 : memref<1x79x128xi32, #tpu.memory_space<hbm>> -> memref<79x128xi32, #tpu.memory_space<hbm>>
      %dma_start3A_14 = arith.constant 0 : i32
      %dma_start3A_15 = arith.constant 0 : i32
      %dma_start3A_16 = tpu.memref_slice %arg3[%add3A, %dma_start3A_14, %dma_start3A_15] : memref<32x79x128xi32, #tpu.memory_space<hbm>> -> memref<1x79x128xi32, #tpu.memory_space<hbm>>
      %dma_start3A_17 = tpu.memref_squeeze %dma_start3A_16 : memref<1x79x128xi32, #tpu.memory_space<hbm>> -> memref<79x128xi32, #tpu.memory_space<hbm>>
      tpu.enqueue_dma source(%dma_start3A_17 : memref<79x128xi32, #tpu.memory_space<hbm>>) target(%arg9 : memref<79x128xi32, #tpu.memory_space<vmem>>) target_semaphore(%run_scoped3A : memref<!tpu.dma_semaphore, #tpu.memory_space<semaphore_mem>>)
      %dma_wait3A = arith.constant 0 : i32
      %dma_wait3A_18 = arith.constant 0 : i32
      %dma_wait3A_19 = tpu.memref_slice %arg3[%add3A, %dma_wait3A, %dma_wait3A_18] : memref<32x79x128xi32, #tpu.memory_space<hbm>> -> memref<1x79x128xi32, #tpu.memory_space<hbm>>
      %dma_wait3A_20 = tpu.memref_squeeze %dma_wait3A_19 : memref<1x79x128xi32, #tpu.memory_space<hbm>> -> memref<79x128xi32, #tpu.memory_space<hbm>>
      %dma_wait3A_21 = arith.constant 0 : i32
      %dma_wait3A_22 = arith.constant 0 : i32
      %dma_wait3A_23 = tpu.memref_slice %arg3[%add3A, %dma_wait3A_21, %dma_wait3A_22] : memref<32x79x128xi32, #tpu.memory_space<hbm>> -> memref<1x79x128xi32, #tpu.memory_space<hbm>>
      %dma_wait3A_24 = tpu.memref_squeeze %dma_wait3A_23 : memref<1x79x128xi32, #tpu.memory_space<hbm>> -> memref<79x128xi32, #tpu.memory_space<hbm>>
      tpu.wait_dma2 semaphore(%run_scoped3A : memref<!tpu.dma_semaphore, #tpu.memory_space<semaphore_mem>>) src(%dma_wait3A_24 : memref<79x128xi32, #tpu.memory_space<hbm>>) dst(%arg9 : memref<79x128xi32, #tpu.memory_space<vmem>>)
      tpu.yield
    }) : () -> ()
    %scan3A = arith.constant 0 : i32
    %scan3A_5 = arith.constant 0 : i32
    %scan3A_6 = arith.constant 79 : i32
    %scan3A_7 = arith.addi %scan3A_5, %scan3A_6 : i32
    %scan3A_8 = arith.constant 1 : i32
    scf.for %scan3A_11 = %scan3A_5 to %scan3A_7 step %scan3A_8  : i32 {
      "tpu.region"() ({
        %run_scoped3A = tpu.sem_alloc : memref<!tpu.dma_semaphore, #tpu.memory_space<semaphore_mem>>
        %dma_start3A = arith.constant 0 : i32
        %dma_start3A_12 = tpu.memref_slice %arg8[%scan3A_11, %dma_start3A] : memref<79x128xi32, #tpu.memory_space<vmem>> -> memref<1x128xi32, #tpu.memory_space<vmem>>
        %dma_start3A_13 = tpu.memref_squeeze %dma_start3A_12 : memref<1x128xi32, #tpu.memory_space<vmem>> -> memref<128xi32, #tpu.memory_space<vmem>>
        %dma_start3A_14 = arith.constant 0 : i32
        %dma_start3A_15 = arith.constant 0 : i32
        %dma_start3A_16 = tpu.memref_slice %arg4[%dma_start3A_14, %dma_start3A_15] : memref<10000x128xf32, #tpu.memory_space<hbm>> -> memref<10000x128xf32, #tpu.memory_space<hbm>>
        tpu.enqueue_indirect_dma source(%dma_start3A_16 : memref<10000x128xf32, #tpu.memory_space<hbm>>) target(%arg10 : memref<128x128xf32, #tpu.memory_space<vmem>>) offsets(%dma_start3A_13 : memref<128xi32, #tpu.memory_space<vmem>>) semaphore(%run_scoped3A : memref<!tpu.dma_semaphore, #tpu.memory_space<semaphore_mem>>)
        %dma_wait3A = arith.constant 0 : i32
        %dma_wait3A_17 = tpu.memref_slice %arg8[%scan3A_11, %dma_wait3A] : memref<79x128xi32, #tpu.memory_space<vmem>> -> memref<1x128xi32, #tpu.memory_space<vmem>>
        %dma_wait3A_18 = tpu.memref_squeeze %dma_wait3A_17 : memref<1x128xi32, #tpu.memory_space<vmem>> -> memref<128xi32, #tpu.memory_space<vmem>>
        %dma_wait3A_19 = arith.constant 0 : i32
        %dma_wait3A_20 = arith.constant 0 : i32
        %dma_wait3A_21 = tpu.memref_slice %arg4[%dma_wait3A_19, %dma_wait3A_20] : memref<10000x128xf32, #tpu.memory_space<hbm>> -> memref<10000x128xf32, #tpu.memory_space<hbm>>
        tpu.wait_indirect_dma semaphore(%run_scoped3A : memref<!tpu.dma_semaphore, #tpu.memory_space<semaphore_mem>>) src(%dma_wait3A_21 : memref<10000x128xf32, #tpu.memory_space<hbm>>) dst(%arg10 : memref<128x128xf32, #tpu.memory_space<vmem>>)
        tpu.yield
      }) : () -> ()
      "tpu.region"() ({
        %run_scoped3A = tpu.sem_alloc : memref<!tpu.dma_semaphore, #tpu.memory_space<semaphore_mem>>
        %dma_start3A = arith.constant 0 : i32
        %dma_start3A_12 = tpu.memref_slice %arg9[%scan3A_11, %dma_start3A] : memref<79x128xi32, #tpu.memory_space<vmem>> -> memref<1x128xi32, #tpu.memory_space<vmem>>
        %dma_start3A_13 = tpu.memref_squeeze %dma_start3A_12 : memref<1x128xi32, #tpu.memory_space<vmem>> -> memref<128xi32, #tpu.memory_space<vmem>>
        %dma_start3A_14 = arith.constant 0 : i32
        %dma_start3A_15 = arith.constant 0 : i32
        %dma_start3A_16 = tpu.memref_slice %arg7[%dma_start3A_14, %dma_start3A_15] : memref<10112x128xf32, #tpu.memory_space<vmem_shared>> -> memref<10112x128xf32, #tpu.memory_space<vmem_shared>>
        tpu.enqueue_indirect_dma source(%arg10 : memref<128x128xf32, #tpu.memory_space<vmem>>) target(%dma_start3A_16 : memref<10112x128xf32, #tpu.memory_space<vmem_shared>>) offsets(%dma_start3A_13 : memref<128xi32, #tpu.memory_space<vmem>>) semaphore(%run_scoped3A : memref<!tpu.dma_semaphore, #tpu.memory_space<semaphore_mem>>) {add = true}
        %dma_wait3A = arith.constant 0 : i32
        %dma_wait3A_17 = tpu.memref_slice %arg9[%scan3A_11, %dma_wait3A] : memref<79x128xi32, #tpu.memory_space<vmem>> -> memref<1x128xi32, #tpu.memory_space<vmem>>
        %dma_wait3A_18 = tpu.memref_squeeze %dma_wait3A_17 : memref<1x128xi32, #tpu.memory_space<vmem>> -> memref<128xi32, #tpu.memory_space<vmem>>
        %dma_wait3A_19 = arith.constant 0 : i32
        %dma_wait3A_20 = arith.constant 0 : i32
        %dma_wait3A_21 = tpu.memref_slice %arg7[%dma_wait3A_19, %dma_wait3A_20] : memref<10112x128xf32, #tpu.memory_space<vmem_shared>> -> memref<10112x128xf32, #tpu.memory_space<vmem_shared>>
        tpu.wait_indirect_dma semaphore(%run_scoped3A : memref<!tpu.dma_semaphore, #tpu.memory_space<semaphore_mem>>) src(%arg10 : memref<128x128xf32, #tpu.memory_space<vmem>>) dst(%dma_wait3A_21 : memref<10112x128xf32, #tpu.memory_space<vmem_shared>>)
        tpu.yield
      }) : () -> ()
    }
    %scan3A_9 = arith.constant 79 : i32
    %barrier3A_10 = arith.constant 0 : index
    tpu.barrier barrier_id(%barrier3A_10)
    "tpu.region"() ({
      %run_scoped3A = tpu.sem_alloc : memref<!tpu.dma_semaphore, #tpu.memory_space<semaphore_mem>>
      %dma_start3A = arith.constant 0 : i32
      %dma_start3A_11 = tpu.memref_slice %arg6[%arg0, %mul3A_0, %dma_start3A] : memref<2x10112x128xf32, #tpu.memory_space<hbm>> -> memref<1x632x128xf32, #tpu.memory_space<hbm>>
      %dma_start3A_12 = tpu.memref_squeeze %dma_start3A_11 : memref<1x632x128xf32, #tpu.memory_space<hbm>> -> memref<632x128xf32, #tpu.memory_space<hbm>>
      %dma_start3A_13 = arith.constant 0 : i32
      %dma_start3A_14 = tpu.memref_slice %arg7[%mul3A_0, %dma_start3A_13] : memref<10112x128xf32, #tpu.memory_space<vmem_shared>> -> memref<632x128xf32, #tpu.memory_space<vmem_shared>>
      tpu.enqueue_dma source(%dma_start3A_14 : memref<632x128xf32, #tpu.memory_space<vmem_shared>>) target(%dma_start3A_12 : memref<632x128xf32, #tpu.memory_space<hbm>>) target_semaphore(%run_scoped3A : memref<!tpu.dma_semaphore, #tpu.memory_space<semaphore_mem>>)
      %dma_wait3A = arith.constant 0 : i32
      %dma_wait3A_15 = tpu.memref_slice %arg6[%arg0, %mul3A_0, %dma_wait3A] : memref<2x10112x128xf32, #tpu.memory_space<hbm>> -> memref<1x632x128xf32, #tpu.memory_space<hbm>>
      %dma_wait3A_16 = tpu.memref_squeeze %dma_wait3A_15 : memref<1x632x128xf32, #tpu.memory_space<hbm>> -> memref<632x128xf32, #tpu.memory_space<hbm>>
      %dma_wait3A_17 = arith.constant 0 : i32
      %dma_wait3A_18 = tpu.memref_slice %arg7[%mul3A_0, %dma_wait3A_17] : memref<10112x128xf32, #tpu.memory_space<vmem_shared>> -> memref<632x128xf32, #tpu.memory_space<vmem_shared>>
      tpu.wait_dma2 semaphore(%run_scoped3A : memref<!tpu.dma_semaphore, #tpu.memory_space<semaphore_mem>>) src(%dma_wait3A_18 : memref<632x128xf32, #tpu.memory_space<vmem_shared>>) dst(%dma_wait3A_16 : memref<632x128xf32, #tpu.memory_space<hbm>>)
      tpu.yield
    }) : () -> ()
    return
  }
}

#map = affine_map<(d0, d1) -> (0, 0, 0)>
#map1 = affine_map<(d0, d1) -> (0, 0)>
module attributes {stable_mosaic.version = 14 : i64} {
  func.func @_sc_agg_body(%arg0: i32, %arg1: i32, %arg2: memref<32x79x128xi32, #tpu.memory_space<hbm>>, %arg3: memref<32x79x128xi32, #tpu.memory_space<hbm>>, %arg4: memref<10000x128xf32, #tpu.memory_space<hbm>>, %arg5: memref<10112x128xf32, #tpu.memory_space<hbm>>, %arg6: memref<2x10112x128xf32, #tpu.memory_space<hbm>>, %arg7: memref<10112x128xf32, #tpu.memory_space<vmem_shared>>, %arg8: memref<79x128xi32, #tpu.memory_space<vmem>>, %arg9: memref<79x128xi32, #tpu.memory_space<vmem>>, %arg10: memref<128x128xf32, #tpu.memory_space<vmem>>) attributes {dimension_semantics = [#tpu.dimension_semantics<core_parallel>, #tpu.dimension_semantics<subcore_parallel>], iteration_bounds = array<i64: 2, 16>, scalar_prefetch = 0 : i64, scratch_operands = 4 : i64, tpu.core_type = #tpu.core_type<sc_vector_subcore>, window_params = [{transform_indices = #map}, {transform_indices = #map}, {transform_indices = #map1}, {transform_indices = #map1}, {transform_indices = #map}]} {
    %mul3A = arith.constant 632 : i32
    %mul3A_0 = arith.muli %arg1, %mul3A : i32
    %mul3A_1 = arith.constant 16 : i32
    %mul3A_2 = arith.muli %arg0, %mul3A_1 : i32
    %add3A = arith.addi %mul3A_2, %arg1 : i32
    %mul3A_3 = arith.constant 10112 : i32
    %mul3A_4 = arith.muli %add3A, %mul3A_3 : i32
    "tpu.region"() ({
      %run_scoped3A = tpu.sem_alloc : memref<!tpu.dma_semaphore, #tpu.memory_space<semaphore_mem>>
      %dma_start3A = arith.constant 0 : i32
      %dma_start3A_11 = tpu.memref_slice %arg7[%mul3A_0, %dma_start3A] : memref<10112x128xf32, #tpu.memory_space<vmem_shared>> -> memref<632x128xf32, #tpu.memory_space<vmem_shared>>
      %dma_start3A_12 = arith.constant 0 : i32
      %dma_start3A_13 = tpu.memref_slice %arg5[%mul3A_0, %dma_start3A_12] : memref<10112x128xf32, #tpu.memory_space<hbm>> -> memref<632x128xf32, #tpu.memory_space<hbm>>
      tpu.enqueue_dma source(%dma_start3A_13 : memref<632x128xf32, #tpu.memory_space<hbm>>) target(%dma_start3A_11 : memref<632x128xf32, #tpu.memory_space<vmem_shared>>) target_semaphore(%run_scoped3A : memref<!tpu.dma_semaphore, #tpu.memory_space<semaphore_mem>>)
      %dma_wait3A = arith.constant 0 : i32
      %dma_wait3A_14 = tpu.memref_slice %arg7[%mul3A_0, %dma_wait3A] : memref<10112x128xf32, #tpu.memory_space<vmem_shared>> -> memref<632x128xf32, #tpu.memory_space<vmem_shared>>
      %dma_wait3A_15 = arith.constant 0 : i32
      %dma_wait3A_16 = tpu.memref_slice %arg5[%mul3A_0, %dma_wait3A_15] : memref<10112x128xf32, #tpu.memory_space<hbm>> -> memref<632x128xf32, #tpu.memory_space<hbm>>
      tpu.wait_dma2 semaphore(%run_scoped3A : memref<!tpu.dma_semaphore, #tpu.memory_space<semaphore_mem>>) src(%dma_wait3A_16 : memref<632x128xf32, #tpu.memory_space<hbm>>) dst(%dma_wait3A_14 : memref<632x128xf32, #tpu.memory_space<vmem_shared>>)
      tpu.yield
    }) : () -> ()
    %barrier3A = arith.constant 0 : index
    tpu.barrier barrier_id(%barrier3A)
    "tpu.region"() ({
      %run_scoped3A = tpu.sem_alloc : memref<!tpu.dma_semaphore, #tpu.memory_space<semaphore_mem>>
      %dma_start3A = arith.constant 0 : i32
      %dma_start3A_11 = arith.constant 0 : i32
      %dma_start3A_12 = tpu.memref_slice %arg2[%add3A, %dma_start3A, %dma_start3A_11] : memref<32x79x128xi32, #tpu.memory_space<hbm>> -> memref<1x79x128xi32, #tpu.memory_space<hbm>>
      %dma_start3A_13 = tpu.memref_squeeze %dma_start3A_12 : memref<1x79x128xi32, #tpu.memory_space<hbm>> -> memref<79x128xi32, #tpu.memory_space<hbm>>
      %dma_start3A_14 = arith.constant 0 : i32
      %dma_start3A_15 = arith.constant 0 : i32
      %dma_start3A_16 = tpu.memref_slice %arg2[%add3A, %dma_start3A_14, %dma_start3A_15] : memref<32x79x128xi32, #tpu.memory_space<hbm>> -> memref<1x79x128xi32, #tpu.memory_space<hbm>>
      %dma_start3A_17 = tpu.memref_squeeze %dma_start3A_16 : memref<1x79x128xi32, #tpu.memory_space<hbm>> -> memref<79x128xi32, #tpu.memory_space<hbm>>
      tpu.enqueue_dma source(%dma_start3A_17 : memref<79x128xi32, #tpu.memory_space<hbm>>) target(%arg8 : memref<79x128xi32, #tpu.memory_space<vmem>>) target_semaphore(%run_scoped3A : memref<!tpu.dma_semaphore, #tpu.memory_space<semaphore_mem>>)
      %dma_wait3A = arith.constant 0 : i32
      %dma_wait3A_18 = arith.constant 0 : i32
      %dma_wait3A_19 = tpu.memref_slice %arg2[%add3A, %dma_wait3A, %dma_wait3A_18] : memref<32x79x128xi32, #tpu.memory_space<hbm>> -> memref<1x79x128xi32, #tpu.memory_space<hbm>>
      %dma_wait3A_20 = tpu.memref_squeeze %dma_wait3A_19 : memref<1x79x128xi32, #tpu.memory_space<hbm>> -> memref<79x128xi32, #tpu.memory_space<hbm>>
      %dma_wait3A_21 = arith.constant 0 : i32
      %dma_wait3A_22 = arith.constant 0 : i32
      %dma_wait3A_23 = tpu.memref_slice %arg2[%add3A, %dma_wait3A_21, %dma_wait3A_22] : memref<32x79x128xi32, #tpu.memory_space<hbm>> -> memref<1x79x128xi32, #tpu.memory_space<hbm>>
      %dma_wait3A_24 = tpu.memref_squeeze %dma_wait3A_23 : memref<1x79x128xi32, #tpu.memory_space<hbm>> -> memref<79x128xi32, #tpu.memory_space<hbm>>
      tpu.wait_dma2 semaphore(%run_scoped3A : memref<!tpu.dma_semaphore, #tpu.memory_space<semaphore_mem>>) src(%dma_wait3A_24 : memref<79x128xi32, #tpu.memory_space<hbm>>) dst(%arg8 : memref<79x128xi32, #tpu.memory_space<vmem>>)
      tpu.yield
    }) : () -> ()
    "tpu.region"() ({
      %run_scoped3A = tpu.sem_alloc : memref<!tpu.dma_semaphore, #tpu.memory_space<semaphore_mem>>
      %dma_start3A = arith.constant 0 : i32
      %dma_start3A_11 = arith.constant 0 : i32
      %dma_start3A_12 = tpu.memref_slice %arg3[%add3A, %dma_start3A, %dma_start3A_11] : memref<32x79x128xi32, #tpu.memory_space<hbm>> -> memref<1x79x128xi32, #tpu.memory_space<hbm>>
      %dma_start3A_13 = tpu.memref_squeeze %dma_start3A_12 : memref<1x79x128xi32, #tpu.memory_space<hbm>> -> memref<79x128xi32, #tpu.memory_space<hbm>>
      %dma_start3A_14 = arith.constant 0 : i32
      %dma_start3A_15 = arith.constant 0 : i32
      %dma_start3A_16 = tpu.memref_slice %arg3[%add3A, %dma_start3A_14, %dma_start3A_15] : memref<32x79x128xi32, #tpu.memory_space<hbm>> -> memref<1x79x128xi32, #tpu.memory_space<hbm>>
      %dma_start3A_17 = tpu.memref_squeeze %dma_start3A_16 : memref<1x79x128xi32, #tpu.memory_space<hbm>> -> memref<79x128xi32, #tpu.memory_space<hbm>>
      tpu.enqueue_dma source(%dma_start3A_17 : memref<79x128xi32, #tpu.memory_space<hbm>>) target(%arg9 : memref<79x128xi32, #tpu.memory_space<vmem>>) target_semaphore(%run_scoped3A : memref<!tpu.dma_semaphore, #tpu.memory_space<semaphore_mem>>)
      %dma_wait3A = arith.constant 0 : i32
      %dma_wait3A_18 = arith.constant 0 : i32
      %dma_wait3A_19 = tpu.memref_slice %arg3[%add3A, %dma_wait3A, %dma_wait3A_18] : memref<32x79x128xi32, #tpu.memory_space<hbm>> -> memref<1x79x128xi32, #tpu.memory_space<hbm>>
      %dma_wait3A_20 = tpu.memref_squeeze %dma_wait3A_19 : memref<1x79x128xi32, #tpu.memory_space<hbm>> -> memref<79x128xi32, #tpu.memory_space<hbm>>
      %dma_wait3A_21 = arith.constant 0 : i32
      %dma_wait3A_22 = arith.constant 0 : i32
      %dma_wait3A_23 = tpu.memref_slice %arg3[%add3A, %dma_wait3A_21, %dma_wait3A_22] : memref<32x79x128xi32, #tpu.memory_space<hbm>> -> memref<1x79x128xi32, #tpu.memory_space<hbm>>
      %dma_wait3A_24 = tpu.memref_squeeze %dma_wait3A_23 : memref<1x79x128xi32, #tpu.memory_space<hbm>> -> memref<79x128xi32, #tpu.memory_space<hbm>>
      tpu.wait_dma2 semaphore(%run_scoped3A : memref<!tpu.dma_semaphore, #tpu.memory_space<semaphore_mem>>) src(%dma_wait3A_24 : memref<79x128xi32, #tpu.memory_space<hbm>>) dst(%arg9 : memref<79x128xi32, #tpu.memory_space<vmem>>)
      tpu.yield
    }) : () -> ()
    %scan3A = arith.constant 0 : i32
    %scan3A_5 = arith.constant 0 : i32
    %scan3A_6 = arith.constant 79 : i32
    %scan3A_7 = arith.addi %scan3A_5, %scan3A_6 : i32
    %scan3A_8 = arith.constant 1 : i32
    scf.for %scan3A_11 = %scan3A_5 to %scan3A_7 step %scan3A_8  : i32 {
      "tpu.region"() ({
        %run_scoped3A = tpu.sem_alloc : memref<!tpu.dma_semaphore, #tpu.memory_space<semaphore_mem>>
        %dma_start3A = arith.constant 0 : i32
        %dma_start3A_12 = tpu.memref_slice %arg8[%scan3A_11, %dma_start3A] : memref<79x128xi32, #tpu.memory_space<vmem>> -> memref<1x128xi32, #tpu.memory_space<vmem>>
        %dma_start3A_13 = tpu.memref_squeeze %dma_start3A_12 : memref<1x128xi32, #tpu.memory_space<vmem>> -> memref<128xi32, #tpu.memory_space<vmem>>
        %dma_start3A_14 = arith.constant 0 : i32
        %dma_start3A_15 = arith.constant 0 : i32
        %dma_start3A_16 = tpu.memref_slice %arg4[%dma_start3A_14, %dma_start3A_15] : memref<10000x128xf32, #tpu.memory_space<hbm>> -> memref<10000x128xf32, #tpu.memory_space<hbm>>
        tpu.enqueue_indirect_dma source(%dma_start3A_16 : memref<10000x128xf32, #tpu.memory_space<hbm>>) target(%arg10 : memref<128x128xf32, #tpu.memory_space<vmem>>) offsets(%dma_start3A_13 : memref<128xi32, #tpu.memory_space<vmem>>) semaphore(%run_scoped3A : memref<!tpu.dma_semaphore, #tpu.memory_space<semaphore_mem>>)
        %dma_wait3A = arith.constant 0 : i32
        %dma_wait3A_17 = tpu.memref_slice %arg8[%scan3A_11, %dma_wait3A] : memref<79x128xi32, #tpu.memory_space<vmem>> -> memref<1x128xi32, #tpu.memory_space<vmem>>
        %dma_wait3A_18 = tpu.memref_squeeze %dma_wait3A_17 : memref<1x128xi32, #tpu.memory_space<vmem>> -> memref<128xi32, #tpu.memory_space<vmem>>
        %dma_wait3A_19 = arith.constant 0 : i32
        %dma_wait3A_20 = arith.constant 0 : i32
        %dma_wait3A_21 = tpu.memref_slice %arg4[%dma_wait3A_19, %dma_wait3A_20] : memref<10000x128xf32, #tpu.memory_space<hbm>> -> memref<10000x128xf32, #tpu.memory_space<hbm>>
        tpu.wait_indirect_dma semaphore(%run_scoped3A : memref<!tpu.dma_semaphore, #tpu.memory_space<semaphore_mem>>) src(%dma_wait3A_21 : memref<10000x128xf32, #tpu.memory_space<hbm>>) dst(%arg10 : memref<128x128xf32, #tpu.memory_space<vmem>>)
        tpu.yield
      }) : () -> ()
      "tpu.region"() ({
        %run_scoped3A = tpu.sem_alloc : memref<!tpu.dma_semaphore, #tpu.memory_space<semaphore_mem>>
        %dma_start3A = arith.constant 0 : i32
        %dma_start3A_12 = tpu.memref_slice %arg9[%scan3A_11, %dma_start3A] : memref<79x128xi32, #tpu.memory_space<vmem>> -> memref<1x128xi32, #tpu.memory_space<vmem>>
        %dma_start3A_13 = tpu.memref_squeeze %dma_start3A_12 : memref<1x128xi32, #tpu.memory_space<vmem>> -> memref<128xi32, #tpu.memory_space<vmem>>
        %dma_start3A_14 = arith.constant 0 : i32
        %dma_start3A_15 = arith.constant 0 : i32
        %dma_start3A_16 = tpu.memref_slice %arg7[%dma_start3A_14, %dma_start3A_15] : memref<10112x128xf32, #tpu.memory_space<vmem_shared>> -> memref<10112x128xf32, #tpu.memory_space<vmem_shared>>
        tpu.enqueue_indirect_dma source(%arg10 : memref<128x128xf32, #tpu.memory_space<vmem>>) target(%dma_start3A_16 : memref<10112x128xf32, #tpu.memory_space<vmem_shared>>) offsets(%dma_start3A_13 : memref<128xi32, #tpu.memory_space<vmem>>) semaphore(%run_scoped3A : memref<!tpu.dma_semaphore, #tpu.memory_space<semaphore_mem>>) {add = true}
        %dma_wait3A = arith.constant 0 : i32
        %dma_wait3A_17 = tpu.memref_slice %arg9[%scan3A_11, %dma_wait3A] : memref<79x128xi32, #tpu.memory_space<vmem>> -> memref<1x128xi32, #tpu.memory_space<vmem>>
        %dma_wait3A_18 = tpu.memref_squeeze %dma_wait3A_17 : memref<1x128xi32, #tpu.memory_space<vmem>> -> memref<128xi32, #tpu.memory_space<vmem>>
        %dma_wait3A_19 = arith.constant 0 : i32
        %dma_wait3A_20 = arith.constant 0 : i32
        %dma_wait3A_21 = tpu.memref_slice %arg7[%dma_wait3A_19, %dma_wait3A_20] : memref<10112x128xf32, #tpu.memory_space<vmem_shared>> -> memref<10112x128xf32, #tpu.memory_space<vmem_shared>>
        tpu.wait_indirect_dma semaphore(%run_scoped3A : memref<!tpu.dma_semaphore, #tpu.memory_space<semaphore_mem>>) src(%arg10 : memref<128x128xf32, #tpu.memory_space<vmem>>) dst(%dma_wait3A_21 : memref<10112x128xf32, #tpu.memory_space<vmem_shared>>)
        tpu.yield
      }) : () -> ()
    }
    %scan3A_9 = arith.constant 79 : i32
    %barrier3A_10 = arith.constant 0 : index
    tpu.barrier barrier_id(%barrier3A_10)
    "tpu.region"() ({
      %run_scoped3A = tpu.sem_alloc : memref<!tpu.dma_semaphore, #tpu.memory_space<semaphore_mem>>
      %dma_start3A = arith.constant 0 : i32
      %dma_start3A_11 = tpu.memref_slice %arg6[%arg0, %mul3A_0, %dma_start3A] : memref<2x10112x128xf32, #tpu.memory_space<hbm>> -> memref<1x632x128xf32, #tpu.memory_space<hbm>>
      %dma_start3A_12 = tpu.memref_squeeze %dma_start3A_11 : memref<1x632x128xf32, #tpu.memory_space<hbm>> -> memref<632x128xf32, #tpu.memory_space<hbm>>
      %dma_start3A_13 = arith.constant 0 : i32
      %dma_start3A_14 = tpu.memref_slice %arg7[%mul3A_0, %dma_start3A_13] : memref<10112x128xf32, #tpu.memory_space<vmem_shared>> -> memref<632x128xf32, #tpu.memory_space<vmem_shared>>
      tpu.enqueue_dma source(%dma_start3A_14 : memref<632x128xf32, #tpu.memory_space<vmem_shared>>) target(%dma_start3A_12 : memref<632x128xf32, #tpu.memory_space<hbm>>) target_semaphore(%run_scoped3A : memref<!tpu.dma_semaphore, #tpu.memory_space<semaphore_mem>>)
      %dma_wait3A = arith.constant 0 : i32
      %dma_wait3A_15 = tpu.memref_slice %arg6[%arg0, %mul3A_0, %dma_wait3A] : memref<2x10112x128xf32, #tpu.memory_space<hbm>> -> memref<1x632x128xf32, #tpu.memory_space<hbm>>
      %dma_wait3A_16 = tpu.memref_squeeze %dma_wait3A_15 : memref<1x632x128xf32, #tpu.memory_space<hbm>> -> memref<632x128xf32, #tpu.memory_space<hbm>>
      %dma_wait3A_17 = arith.constant 0 : i32
      %dma_wait3A_18 = tpu.memref_slice %arg7[%mul3A_0, %dma_wait3A_17] : memref<10112x128xf32, #tpu.memory_space<vmem_shared>> -> memref<632x128xf32, #tpu.memory_space<vmem_shared>>
      tpu.wait_dma2 semaphore(%run_scoped3A : memref<!tpu.dma_semaphore, #tpu.memory_space<semaphore_mem>>) src(%dma_wait3A_18 : memref<632x128xf32, #tpu.memory_space<vmem_shared>>) dst(%dma_wait3A_16 : memref<632x128xf32, #tpu.memory_space<hbm>>)
      tpu.yield
    }) : () -> ()
    return
  }
}

module attributes {stable_mosaic.version = 14 : i64} {
  func.func @_mlp_body(%arg0: i32, %arg1: memref<512x128xf32, #tpu.memory_space<vmem>>, %arg2: memref<2x512x128xf32, #tpu.memory_space<vmem>>, %arg3: memref<128x128xf32, #tpu.memory_space<vmem>>, %arg4: memref<1x128xf32, #tpu.memory_space<vmem>>, %arg5: memref<128x128xf32, #tpu.memory_space<vmem>>, %arg6: memref<1x128xf32, #tpu.memory_space<vmem>>, %arg7: memref<512x128xf32, #tpu.memory_space<vmem>>) attributes {dimension_semantics = [#tpu.dimension_semantics<arbitrary>], iteration_bounds = array<i64: 20>, scalar_prefetch = 0 : i64, scratch_operands = 0 : i64, tpu.core_type = #tpu.core_type<tc>, window_params = [{transform_indices = @transform_0, window_bounds = array<i64: 512, 128>}, {transform_indices = @transform_1, window_bounds = array<i64: 2, 512, 128>}, {pipeline_mode = #tpu.pipeline_mode<synchronous>, transform_indices = @transform_2, window_bounds = array<i64: 128, 128>}, {pipeline_mode = #tpu.pipeline_mode<synchronous>, transform_indices = @transform_3, window_bounds = array<i64: 1, 128>}, {pipeline_mode = #tpu.pipeline_mode<synchronous>, transform_indices = @transform_4, window_bounds = array<i64: 128, 128>}, {pipeline_mode = #tpu.pipeline_mode<synchronous>, transform_indices = @transform_5, window_bounds = array<i64: 1, 128>}, {transform_indices = @transform_6, window_bounds = array<i64: 512, 128>}]} {
    %get3A = arith.constant 0 : index
    %get3A_0 = arith.constant 0 : index
    %get3A_1 = vector.load %arg1[%get3A, %get3A_0] : memref<512x128xf32, #tpu.memory_space<vmem>>, vector<512x128xf32>
    %get3A_2 = arith.constant 0 : index
    %get3A_3 = arith.constant 0 : index
    %get3A_4 = arith.constant 0 : index
    %get3A_5 = vector.load %arg2[%get3A_2, %get3A_3, %get3A_4] : memref<2x512x128xf32, #tpu.memory_space<vmem>>, vector<1x512x128xf32>
    %get3A_6 = vector.shape_cast %get3A_5 : vector<1x512x128xf32> to vector<512x128xf32>
    %add3A = arith.addf %get3A_1, %get3A_6 : vector<512x128xf32>
    %get3A_7 = arith.constant 1 : index
    %get3A_8 = arith.constant 0 : index
    %get3A_9 = arith.constant 0 : index
    %get3A_10 = vector.load %arg2[%get3A_7, %get3A_8, %get3A_9] : memref<2x512x128xf32, #tpu.memory_space<vmem>>, vector<1x512x128xf32>
    %get3A_11 = vector.shape_cast %get3A_10 : vector<1x512x128xf32> to vector<512x128xf32>
    %add3A_12 = arith.addf %add3A, %get3A_11 : vector<512x128xf32>
    %get3A_13 = arith.constant 0 : index
    %get3A_14 = arith.constant 0 : index
    %get3A_15 = vector.load %arg3[%get3A_13, %get3A_14] : memref<128x128xf32, #tpu.memory_space<vmem>>, vector<128x128xf32>
    %dot_general3A = arith.constant dense<0.000000e+00> : vector<512x128xf32>
    %dot_general3A_16 = tpu.matmul %add3A_12, %get3A_15, %dot_general3A {dimension_numbers = #tpu.dot_dimension_numbers<[1], [0], [0], [1], [0, 0, 1, 1], [], []>, precision = #tpu.contract_precision<fp32>, transpose_lhs_hint = false} : vector<512x128xf32>, vector<128x128xf32>, vector<512x128xf32> -> vector<512x128xf32>
    %get3A_17 = arith.constant 0 : index
    %get3A_18 = arith.constant 0 : index
    %get3A_19 = vector.load %arg4[%get3A_17, %get3A_18] : memref<1x128xf32, #tpu.memory_space<vmem>>, vector<1x128xf32>
    %add3A_20 = vector.broadcast %get3A_19 : vector<1x128xf32> to vector<512x128xf32>
    %add3A_21 = arith.addf %dot_general3A_16, %add3A_20 : vector<512x128xf32>
    %max3A = arith.constant 0.000000e+00 : f32
    %max3A_22 = vector.broadcast %max3A : f32 to vector<512x128xf32>
    %max3A_23 = arith.maximumf %add3A_21, %max3A_22 : vector<512x128xf32>
    %get3A_24 = arith.constant 0 : index
    %get3A_25 = arith.constant 0 : index
    %get3A_26 = vector.load %arg5[%get3A_24, %get3A_25] : memref<128x128xf32, #tpu.memory_space<vmem>>, vector<128x128xf32>
    %dot_general3A_27 = arith.constant dense<0.000000e+00> : vector<512x128xf32>
    %dot_general3A_28 = tpu.matmul %max3A_23, %get3A_26, %dot_general3A_27 {dimension_numbers = #tpu.dot_dimension_numbers<[1], [0], [0], [1], [0, 0, 1, 1], [], []>, precision = #tpu.contract_precision<fp32>, transpose_lhs_hint = false} : vector<512x128xf32>, vector<128x128xf32>, vector<512x128xf32> -> vector<512x128xf32>
    %get3A_29 = arith.constant 0 : index
    %get3A_30 = arith.constant 0 : index
    %get3A_31 = vector.load %arg6[%get3A_29, %get3A_30] : memref<1x128xf32, #tpu.memory_space<vmem>>, vector<1x128xf32>
    %add3A_32 = vector.broadcast %get3A_31 : vector<1x128xf32> to vector<512x128xf32>
    %add3A_33 = arith.addf %dot_general3A_28, %add3A_32 : vector<512x128xf32>
    %swap3A = arith.constant 0 : index
    %swap3A_34 = arith.constant 0 : index
    %swap3A_35 = vector.load %arg7[%swap3A, %swap3A_34] : memref<512x128xf32, #tpu.memory_space<vmem>>, vector<512x128xf32>
    tpu.vector_store %arg7[%swap3A, %swap3A_34], %add3A_33 {strides = array<i32>} : memref<512x128xf32, #tpu.memory_space<vmem>>, vector<512x128xf32>,
    return
  }
  func.func @transform_0(%arg0: i32) -> (i32, i32) {
    %c0_i32 = arith.constant 0 : i32
    %c0_i32_0 = arith.constant 0 : i32
    return %arg0, %c0_i32 : i32, i32
  }
  func.func @transform_1(%arg0: i32) -> (i32, i32, i32) {
    %c0_i32 = arith.constant 0 : i32
    %c0_i32_0 = arith.constant 0 : i32
    %c0_i32_1 = arith.constant 0 : i32
    return %c0_i32, %arg0, %c0_i32_0 : i32, i32, i32
  }
  func.func @transform_2(%arg0: i32) -> (i32, i32) {
    %c0_i32 = arith.constant 0 : i32
    %c0_i32_0 = arith.constant 0 : i32
    %c0_i32_1 = arith.constant 0 : i32
    return %c0_i32, %c0_i32_0 : i32, i32
  }
  func.func @transform_3(%arg0: i32) -> (i32, i32) {
    %c0_i32 = arith.constant 0 : i32
    %c0_i32_0 = arith.constant 0 : i32
    %c0_i32_1 = arith.constant 0 : i32
    return %c0_i32, %c0_i32_0 : i32, i32
  }
  func.func @transform_4(%arg0: i32) -> (i32, i32) {
    %c0_i32 = arith.constant 0 : i32
    %c0_i32_0 = arith.constant 0 : i32
    %c0_i32_1 = arith.constant 0 : i32
    return %c0_i32, %c0_i32_0 : i32, i32
  }
  func.func @transform_5(%arg0: i32) -> (i32, i32) {
    %c0_i32 = arith.constant 0 : i32
    %c0_i32_0 = arith.constant 0 : i32
    %c0_i32_1 = arith.constant 0 : i32
    return %c0_i32, %c0_i32_0 : i32, i32
  }
  func.func @transform_6(%arg0: i32) -> (i32, i32) {
    %c0_i32 = arith.constant 0 : i32
    %c0_i32_0 = arith.constant 0 : i32
    return %arg0, %c0_i32 : i32, i32
  }
}

module attributes {stable_mosaic.version = 14 : i64} {
  func.func @_pool_body(%arg0: i32, %arg1: memref<512x128xf32, #tpu.memory_space<vmem>>, %arg2: memref<2x512x128xf32, #tpu.memory_space<vmem>>, %arg3: memref<128x128xf32, #tpu.memory_space<vmem>>, %arg4: memref<1x128xf32, #tpu.memory_space<vmem>>, %arg5: memref<128x128xf32, #tpu.memory_space<vmem>>, %arg6: memref<1x128xf32, #tpu.memory_space<vmem>>, %arg7: memref<1x512x1xi32, #tpu.memory_space<vmem>>, %arg8: memref<128x64xf32, #tpu.memory_space<vmem>>, %arg9: memref<1x64xf32, #tpu.memory_space<vmem>>, %arg10: memref<64x16xf32, #tpu.memory_space<vmem>>, %arg11: memref<1x16xf32, #tpu.memory_space<vmem>>, %arg12: memref<64x16xf32, #tpu.memory_space<vmem>>, %arg13: memref<64x128xf32, #tpu.memory_space<vmem>>) attributes {dimension_semantics = [#tpu.dimension_semantics<arbitrary>], iteration_bounds = array<i64: 20>, scalar_prefetch = 0 : i64, scratch_operands = 1 : i64, tpu.core_type = #tpu.core_type<tc>, window_params = [{transform_indices = @transform_0, window_bounds = array<i64: 512, 128>}, {transform_indices = @transform_1, window_bounds = array<i64: 2, 512, 128>}, {pipeline_mode = #tpu.pipeline_mode<synchronous>, transform_indices = @transform_2, window_bounds = array<i64: 128, 128>}, {pipeline_mode = #tpu.pipeline_mode<synchronous>, transform_indices = @transform_3, window_bounds = array<i64: 1, 128>}, {pipeline_mode = #tpu.pipeline_mode<synchronous>, transform_indices = @transform_4, window_bounds = array<i64: 128, 128>}, {pipeline_mode = #tpu.pipeline_mode<synchronous>, transform_indices = @transform_5, window_bounds = array<i64: 1, 128>}, {transform_indices = @transform_6, window_bounds = array<i64: 1, 512, 1>}, {pipeline_mode = #tpu.pipeline_mode<synchronous>, transform_indices = @transform_7, window_bounds = array<i64: 128, 64>}, {pipeline_mode = #tpu.pipeline_mode<synchronous>, transform_indices = @transform_8, window_bounds = array<i64: 1, 64>}, {pipeline_mode = #tpu.pipeline_mode<synchronous>, transform_indices = @transform_9, window_bounds = array<i64: 64, 16>}, {pipeline_mode = #tpu.pipeline_mode<synchronous>, transform_indices = @transform_10, window_bounds = array<i64: 1, 16>}, {pipeline_mode = #tpu.pipeline_mode<synchronous>, transform_indices = @transform_11, window_bounds = array<i64: 64, 16>}]} {
    %eq3A = arith.constant 0 : i32
    %eq3A_0 = arith.cmpi eq, %arg0, %eq3A : i32
    %convert_element_type3A = arith.extui %eq3A_0 : i1 to i32
    %cond3A = arith.constant 0 : i32
    %cond3A_1 = arith.cmpi ne, %convert_element_type3A, %cond3A : i32
    scf.if %cond3A_1 {
      %broadcast_in_dim3A = arith.constant 0xFF800000 : f32
      %broadcast_in_dim3A_65 = vector.broadcast %broadcast_in_dim3A : f32 to vector<64x128xf32>
      %swap3A = arith.constant 0 : index
      %swap3A_66 = arith.constant 0 : index
      %swap3A_67 = vector.load %arg13[%swap3A, %swap3A_66] : memref<64x128xf32, #tpu.memory_space<vmem>>, vector<64x128xf32>
      tpu.vector_store %arg13[%swap3A, %swap3A_66], %broadcast_in_dim3A_65 {strides = array<i32>} : memref<64x128xf32, #tpu.memory_space<vmem>>, vector<64x128xf32>,
    } else {
    }
    %get3A = arith.constant 0 : index
    %get3A_2 = arith.constant 0 : index
    %get3A_3 = vector.load %arg1[%get3A, %get3A_2] : memref<512x128xf32, #tpu.memory_space<vmem>>, vector<512x128xf32>
    %get3A_4 = arith.constant 0 : index
    %get3A_5 = arith.constant 0 : index
    %get3A_6 = arith.constant 0 : index
    %get3A_7 = vector.load %arg2[%get3A_4, %get3A_5, %get3A_6] : memref<2x512x128xf32, #tpu.memory_space<vmem>>, vector<1x512x128xf32>
    %get3A_8 = vector.shape_cast %get3A_7 : vector<1x512x128xf32> to vector<512x128xf32>
    %add3A = arith.addf %get3A_3, %get3A_8 : vector<512x128xf32>
    %get3A_9 = arith.constant 1 : index
    %get3A_10 = arith.constant 0 : index
    %get3A_11 = arith.constant 0 : index
    %get3A_12 = vector.load %arg2[%get3A_9, %get3A_10, %get3A_11] : memref<2x512x128xf32, #tpu.memory_space<vmem>>, vector<1x512x128xf32>
    %get3A_13 = vector.shape_cast %get3A_12 : vector<1x512x128xf32> to vector<512x128xf32>
    %add3A_14 = arith.addf %add3A, %get3A_13 : vector<512x128xf32>
    %get3A_15 = arith.constant 0 : index
    %get3A_16 = arith.constant 0 : index
    %get3A_17 = vector.load %arg3[%get3A_15, %get3A_16] : memref<128x128xf32, #tpu.memory_space<vmem>>, vector<128x128xf32>
    %dot_general3A = arith.constant dense<0.000000e+00> : vector<512x128xf32>
    %dot_general3A_18 = tpu.matmul %add3A_14, %get3A_17, %dot_general3A {dimension_numbers = #tpu.dot_dimension_numbers<[1], [0], [0], [1], [0, 0, 1, 1], [], []>, precision = #tpu.contract_precision<fp32>, transpose_lhs_hint = false} : vector<512x128xf32>, vector<128x128xf32>, vector<512x128xf32> -> vector<512x128xf32>
    %get3A_19 = arith.constant 0 : index
    %get3A_20 = arith.constant 0 : index
    %get3A_21 = vector.load %arg4[%get3A_19, %get3A_20] : memref<1x128xf32, #tpu.memory_space<vmem>>, vector<1x128xf32>
    %add3A_22 = vector.broadcast %get3A_21 : vector<1x128xf32> to vector<512x128xf32>
    %add3A_23 = arith.addf %dot_general3A_18, %add3A_22 : vector<512x128xf32>
    %max3A = arith.constant 0.000000e+00 : f32
    %max3A_24 = vector.broadcast %max3A : f32 to vector<512x128xf32>
    %max3A_25 = arith.maximumf %add3A_23, %max3A_24 : vector<512x128xf32>
    %get3A_26 = arith.constant 0 : index
    %get3A_27 = arith.constant 0 : index
    %get3A_28 = vector.load %arg5[%get3A_26, %get3A_27] : memref<128x128xf32, #tpu.memory_space<vmem>>, vector<128x128xf32>
    %dot_general3A_29 = arith.constant dense<0.000000e+00> : vector<512x128xf32>
    %dot_general3A_30 = tpu.matmul %max3A_25, %get3A_28, %dot_general3A_29 {dimension_numbers = #tpu.dot_dimension_numbers<[1], [0], [0], [1], [0, 0, 1, 1], [], []>, precision = #tpu.contract_precision<fp32>, transpose_lhs_hint = false} : vector<512x128xf32>, vector<128x128xf32>, vector<512x128xf32> -> vector<512x128xf32>
    %get3A_31 = arith.constant 0 : index
    %get3A_32 = arith.constant 0 : index
    %get3A_33 = vector.load %arg6[%get3A_31, %get3A_32] : memref<1x128xf32, #tpu.memory_space<vmem>>, vector<1x128xf32>
    %add3A_34 = vector.broadcast %get3A_33 : vector<1x128xf32> to vector<512x128xf32>
    %add3A_35 = arith.addf %dot_general3A_30, %add3A_34 : vector<512x128xf32>
    %get3A_36 = arith.constant 0 : index
    %get3A_37 = arith.constant 0 : index
    %get3A_38 = arith.constant 0 : index
    %get3A_39 = vector.load %arg7[%get3A_36, %get3A_37, %get3A_38] : memref<1x512x1xi32, #tpu.memory_space<vmem>>, vector<1x512x1xi32>
    %get3A_40 = vector.shape_cast %get3A_39 : vector<1x512x1xi32> to vector<512x1xi32>
    %reduce_min3A = vector.shape_cast %get3A_40 : vector<512x1xi32> to vector<1x512x1xi32>
    %reduce_min3A_41 = arith.constant dense<2147483647> : vector<1xi32>
    %reduce_min3A_42 = vector.multi_reduction <minsi>, %reduce_min3A, %reduce_min3A_41 [1, 2] : vector<1x512x1xi32> to vector<1xi32>
    %reduce_min3A_43 = vector.shape_cast %reduce_min3A_42 : vector<1xi32> to vector<1x1x1xi32>
    %reduce_min3A_44 = vector.extract %reduce_min3A_43[0, 0, 0] : i32 from vector<1x1x1xi32>
    %reduce_max3A = vector.shape_cast %get3A_40 : vector<512x1xi32> to vector<1x512x1xi32>
    %reduce_max3A_45 = arith.constant dense<-2147483648> : vector<1xi32>
    %reduce_max3A_46 = vector.multi_reduction <maxsi>, %reduce_max3A, %reduce_max3A_45 [1, 2] : vector<1x512x1xi32> to vector<1xi32>
    %reduce_max3A_47 = vector.shape_cast %reduce_max3A_46 : vector<1xi32> to vector<1x1x1xi32>
    %reduce_max3A_48 = vector.extract %reduce_max3A_47[0, 0, 0] : i32 from vector<1x1x1xi32>
    %min3A = arith.constant 63 : i32
    %min3A_49 = arith.minsi %reduce_max3A_48, %min3A : i32
    %add3A_50 = arith.constant 1 : i32
    %add3A_51 = arith.addi %min3A_49, %add3A_50 : i32
    %while3A = arith.constant 0 : i32
    %while3A_52 = arith.subi %add3A_51, %reduce_min3A_44 : i32
    %while3A_53 = arith.addi %reduce_min3A_44, %while3A_52 : i32
    %while3A_54 = arith.constant 1 : i32
    %while3A_55 = arith.divsi %while3A_52, %while3A_54 : i32
    %while3A_56 = arith.muli %while3A_55, %while3A_54 : i32
    %while3A_57 = arith.addi %reduce_min3A_44, %while3A_56 : i32
    %while3A_58 = arith.constant 1 : i32
    scf.for %while3A_65 = %reduce_min3A_44 to %while3A_57 step %while3A_58  : i32 {
      %eq3A_66 = vector.broadcast %while3A_65 : i32 to vector<512x1xi32>
      %eq3A_67 = arith.cmpi eq, %get3A_40, %eq3A_66 : vector<512x1xi32>
      %jit3A = arith.constant 0xFF800000 : f32
      %broadcast_in_dim3A = vector.shape_cast %eq3A_67 : vector<512x1xi1> to vector<512x1xi1>
      %broadcast_in_dim3A_68 = vector.broadcast %broadcast_in_dim3A : vector<512x1xi1> to vector<512x128xi1>
      %broadcast_in_dim3A_69 = vector.broadcast %jit3A : f32 to vector<512x128xf32>
      %select_n3A = arith.select %broadcast_in_dim3A_68, %add3A_35, %broadcast_in_dim3A_69 : vector<512x128xi1>, vector<512x128xf32>
      %reduce_max3A_70 = arith.constant dense<0xFF800000> : vector<128xf32>
      %reduce_max3A_71 = vector.multi_reduction <maximumf>, %select_n3A, %reduce_max3A_70 [0] : vector<512x128xf32> to vector<128xf32>
      %broadcast_in_dim3A_72 = vector.shape_cast %reduce_max3A_71 : vector<128xf32> to vector<1x128xf32>
      %get3A_73 = arith.index_cast %while3A_65 : i32 to index
      %get3A_74 = arith.constant 0 : index
      %get3A_75 = vector.load %arg13[%get3A_73, %get3A_74] : memref<64x128xf32, #tpu.memory_space<vmem>>, vector<1x128xf32>
      %max3A_76 = arith.maximumf %get3A_75, %broadcast_in_dim3A_72 : vector<1x128xf32>
      %swap3A = arith.index_cast %while3A_65 : i32 to index
      %swap3A_77 = arith.constant 0 : index
      %swap3A_78 = vector.load %arg13[%swap3A, %swap3A_77] : memref<64x128xf32, #tpu.memory_space<vmem>>, vector<1x128xf32>
      tpu.vector_store %arg13[%swap3A, %swap3A_77], %max3A_76 {strides = array<i32>} : memref<64x128xf32, #tpu.memory_space<vmem>>, vector<1x128xf32>,
    }
    %while3A_59 = arith.constant 1 : i32
    scf.for %while3A_65 = %while3A_57 to %while3A_53 step %while3A_59  : i32 {
      %eq3A_66 = vector.broadcast %while3A_65 : i32 to vector<512x1xi32>
      %eq3A_67 = arith.cmpi eq, %get3A_40, %eq3A_66 : vector<512x1xi32>
      %jit3A = arith.constant 0xFF800000 : f32
      %broadcast_in_dim3A = vector.shape_cast %eq3A_67 : vector<512x1xi1> to vector<512x1xi1>
      %broadcast_in_dim3A_68 = vector.broadcast %broadcast_in_dim3A : vector<512x1xi1> to vector<512x128xi1>
      %broadcast_in_dim3A_69 = vector.broadcast %jit3A : f32 to vector<512x128xf32>
      %select_n3A = arith.select %broadcast_in_dim3A_68, %add3A_35, %broadcast_in_dim3A_69 : vector<512x128xi1>, vector<512x128xf32>
      %reduce_max3A_70 = arith.constant dense<0xFF800000> : vector<128xf32>
      %reduce_max3A_71 = vector.multi_reduction <maximumf>, %select_n3A, %reduce_max3A_70 [0] : vector<512x128xf32> to vector<128xf32>
      %broadcast_in_dim3A_72 = vector.shape_cast %reduce_max3A_71 : vector<128xf32> to vector<1x128xf32>
      %get3A_73 = arith.index_cast %while3A_65 : i32 to index
      %get3A_74 = arith.constant 0 : index
      %get3A_75 = vector.load %arg13[%get3A_73, %get3A_74] : memref<64x128xf32, #tpu.memory_space<vmem>>, vector<1x128xf32>
      %max3A_76 = arith.maximumf %get3A_75, %broadcast_in_dim3A_72 : vector<1x128xf32>
      %swap3A = arith.index_cast %while3A_65 : i32 to index
      %swap3A_77 = arith.constant 0 : index
      %swap3A_78 = vector.load %arg13[%swap3A, %swap3A_77] : memref<64x128xf32, #tpu.memory_space<vmem>>, vector<1x128xf32>
      tpu.vector_store %arg13[%swap3A, %swap3A_77], %max3A_76 {strides = array<i32>} : memref<64x128xf32, #tpu.memory_space<vmem>>, vector<1x128xf32>,
    }
    %eq3A_60 = arith.constant 19 : i32
    %eq3A_61 = arith.cmpi eq, %arg0, %eq3A_60 : i32
    %convert_element_type3A_62 = arith.extui %eq3A_61 : i1 to i32
    %cond3A_63 = arith.constant 0 : i32
    %cond3A_64 = arith.cmpi ne, %convert_element_type3A_62, %cond3A_63 : i32
    scf.if %cond3A_64 {
      %get3A_65 = arith.constant 0 : index
      %get3A_66 = arith.constant 0 : index
      %get3A_67 = vector.load %arg13[%get3A_65, %get3A_66] : memref<64x128xf32, #tpu.memory_space<vmem>>, vector<64x128xf32>
      %get3A_68 = arith.constant 0 : index
      %get3A_69 = arith.constant 0 : index
      %get3A_70 = vector.load %arg8[%get3A_68, %get3A_69] : memref<128x64xf32, #tpu.memory_space<vmem>>, vector<128x64xf32>
      %dot_general3A_71 = arith.constant dense<0.000000e+00> : vector<64x64xf32>
      %dot_general3A_72 = tpu.matmul %get3A_67, %get3A_70, %dot_general3A_71 {dimension_numbers = #tpu.dot_dimension_numbers<[1], [0], [0], [1], [0, 0, 1, 1], [], []>, precision = #tpu.contract_precision<fp32>, transpose_lhs_hint = false} : vector<64x128xf32>, vector<128x64xf32>, vector<64x64xf32> -> vector<64x64xf32>
      %get3A_73 = arith.constant 0 : index
      %get3A_74 = arith.constant 0 : index
      %get3A_75 = vector.load %arg9[%get3A_73, %get3A_74] : memref<1x64xf32, #tpu.memory_space<vmem>>, vector<1x64xf32>
      %add3A_76 = vector.broadcast %get3A_75 : vector<1x64xf32> to vector<64x64xf32>
      %add3A_77 = arith.addf %dot_general3A_72, %add3A_76 : vector<64x64xf32>
      %max3A_78 = arith.constant 0.000000e+00 : f32
      %max3A_79 = vector.broadcast %max3A_78 : f32 to vector<64x64xf32>
      %max3A_80 = arith.maximumf %add3A_77, %max3A_79 : vector<64x64xf32>
      %get3A_81 = arith.constant 0 : index
      %get3A_82 = arith.constant 0 : index
      %get3A_83 = vector.load %arg10[%get3A_81, %get3A_82] : memref<64x16xf32, #tpu.memory_space<vmem>>, vector<64x16xf32>
      %dot_general3A_84 = arith.constant dense<0.000000e+00> : vector<64x16xf32>
      %dot_general3A_85 = tpu.matmul %max3A_80, %get3A_83, %dot_general3A_84 {dimension_numbers = #tpu.dot_dimension_numbers<[1], [0], [0], [1], [0, 0, 1, 1], [], []>, precision = #tpu.contract_precision<fp32>, transpose_lhs_hint = false} : vector<64x64xf32>, vector<64x16xf32>, vector<64x16xf32> -> vector<64x16xf32>
      %get3A_86 = arith.constant 0 : index
      %get3A_87 = arith.constant 0 : index
      %get3A_88 = vector.load %arg11[%get3A_86, %get3A_87] : memref<1x16xf32, #tpu.memory_space<vmem>>, vector<1x16xf32>
      %add3A_89 = vector.broadcast %get3A_88 : vector<1x16xf32> to vector<64x16xf32>
      %add3A_90 = arith.addf %dot_general3A_85, %add3A_89 : vector<64x16xf32>
      %reduce_max3A_91 = arith.constant dense<0xFF800000> : vector<64xf32>
      %reduce_max3A_92 = vector.multi_reduction <maximumf>, %add3A_90, %reduce_max3A_91 [1] : vector<64x16xf32> to vector<64xf32>
      %broadcast_in_dim3A = vector.shape_cast %reduce_max3A_92 : vector<64xf32> to vector<64x1xf32>
      %sub3A = vector.broadcast %broadcast_in_dim3A : vector<64x1xf32> to vector<64x16xf32>
      %sub3A_93 = arith.subf %add3A_90, %sub3A : vector<64x16xf32>
      %exp3A = math.exp %sub3A_93 : vector<64x16xf32>
      %reduce_sum3A = arith.constant dense<0.000000e+00> : vector<64xf32>
      %reduce_sum3A_94 = vector.multi_reduction <add>, %exp3A, %reduce_sum3A [1] : vector<64x16xf32> to vector<64xf32>
      %broadcast_in_dim3A_95 = vector.shape_cast %reduce_sum3A_94 : vector<64xf32> to vector<64x1xf32>
      %log3A = math.log %broadcast_in_dim3A_95 : vector<64x1xf32>
      %sub3A_96 = vector.broadcast %log3A : vector<64x1xf32> to vector<64x16xf32>
      %sub3A_97 = arith.subf %sub3A_93, %sub3A_96 : vector<64x16xf32>
      %swap3A = arith.constant 0 : index
      %swap3A_98 = arith.constant 0 : index
      %swap3A_99 = vector.load %arg12[%swap3A, %swap3A_98] : memref<64x16xf32, #tpu.memory_space<vmem>>, vector<64x16xf32>
      tpu.vector_store %arg12[%swap3A, %swap3A_98], %sub3A_97 {strides = array<i32>} : memref<64x16xf32, #tpu.memory_space<vmem>>, vector<64x16xf32>,
    } else {
    }
    return
  }
  func.func @transform_0(%arg0: i32) -> (i32, i32) {
    %c0_i32 = arith.constant 0 : i32
    %c0_i32_0 = arith.constant 0 : i32
    return %arg0, %c0_i32 : i32, i32
  }
  func.func @transform_1(%arg0: i32) -> (i32, i32, i32) {
    %c0_i32 = arith.constant 0 : i32
    %c0_i32_0 = arith.constant 0 : i32
    %c0_i32_1 = arith.constant 0 : i32
    return %c0_i32, %arg0, %c0_i32_0 : i32, i32, i32
  }
  func.func @transform_2(%arg0: i32) -> (i32, i32) {
    %c0_i32 = arith.constant 0 : i32
    %c0_i32_0 = arith.constant 0 : i32
    %c0_i32_1 = arith.constant 0 : i32
    return %c0_i32, %c0_i32_0 : i32, i32
  }
  func.func @transform_3(%arg0: i32) -> (i32, i32) {
    %c0_i32 = arith.constant 0 : i32
    %c0_i32_0 = arith.constant 0 : i32
    %c0_i32_1 = arith.constant 0 : i32
    return %c0_i32, %c0_i32_0 : i32, i32
  }
  func.func @transform_4(%arg0: i32) -> (i32, i32) {
    %c0_i32 = arith.constant 0 : i32
    %c0_i32_0 = arith.constant 0 : i32
    %c0_i32_1 = arith.constant 0 : i32
    return %c0_i32, %c0_i32_0 : i32, i32
  }
  func.func @transform_5(%arg0: i32) -> (i32, i32) {
    %c0_i32 = arith.constant 0 : i32
    %c0_i32_0 = arith.constant 0 : i32
    %c0_i32_1 = arith.constant 0 : i32
    return %c0_i32, %c0_i32_0 : i32, i32
  }
  func.func @transform_6(%arg0: i32) -> (i32, i32, i32) {
    %c0_i32 = arith.constant 0 : i32
    %c0_i32_0 = arith.constant 0 : i32
    %c0_i32_1 = arith.constant 0 : i32
    return %arg0, %c0_i32, %c0_i32_0 : i32, i32, i32
  }
  func.func @transform_7(%arg0: i32) -> (i32, i32) {
    %c0_i32 = arith.constant 0 : i32
    %c0_i32_0 = arith.constant 0 : i32
    %c0_i32_1 = arith.constant 0 : i32
    return %c0_i32, %c0_i32_0 : i32, i32
  }
  func.func @transform_8(%arg0: i32) -> (i32, i32) {
    %c0_i32 = arith.constant 0 : i32
    %c0_i32_0 = arith.constant 0 : i32
    %c0_i32_1 = arith.constant 0 : i32
    return %c0_i32, %c0_i32_0 : i32, i32
  }
  func.func @transform_9(%arg0: i32) -> (i32, i32) {
    %c0_i32 = arith.constant 0 : i32
    %c0_i32_0 = arith.constant 0 : i32
    %c0_i32_1 = arith.constant 0 : i32
    return %c0_i32, %c0_i32_0 : i32, i32
  }
  func.func @transform_10(%arg0: i32) -> (i32, i32) {
    %c0_i32 = arith.constant 0 : i32
    %c0_i32_0 = arith.constant 0 : i32
    %c0_i32_1 = arith.constant 0 : i32
    return %c0_i32, %c0_i32_0 : i32, i32
  }
  func.func @transform_11(%arg0: i32) -> (i32, i32) {
    %c0_i32 = arith.constant 0 : i32
    %c0_i32_0 = arith.constant 0 : i32
    %c0_i32_1 = arith.constant 0 : i32
    return %c0_i32, %c0_i32_0 : i32, i32
  }
}

</mosaic_0001>

<sc_bundles>
// kernel: kernel.6.cloned.1.call-start
scs
__scs_entry_jumppad:
0x0: {  	(pc) =	sbr.rel $0x88, $3  }
0x1: {  	(tag) =	ssettag $0x0;
	lr =	simm.s32 $0x1  }
0x2: {  	[smem:$0x3F92] =	sst lr;
	_ =	strace $0xD0000000  }
0x3: {  	_ = 	snop  }
0x4: {  	_ = 	snop  }
0x5: {  	_ = 	snop  }
0x6: {  	_ = 	snop  }
0x7: {  	_ = 	snop  }
__scs_overlays_trampoline_lowered:
0x8: {  	[smem:$0x3FA1] =	sst s0  }
0x9: {  	[smem:$0x3FA2] =	sst s1  }
0xa: {  	[smem:$0x3FA3] =	sst s2  }
0xb: {  	[smem:$0x3FA4] =	sst s3  }
0xc: {  	[smem:$0x3FA5] =	sst s4  }
0xd: {  	[smem:$0x3FA6] =	sst s5  }
0xe: {  	[smem:$0x3FA7] =	sst s6  }
0xf: {  	[smem:$0x3FA8] =	sst s7  }
0x10: {  	[smem:$0x3FA9] =	sst s8  }
0x11: {  	[smem:$0x3FAA] =	sst s9;
	s0 =	simm.s32 @!p0 $0x0  }
0x12: {  	s1 =	sld [smem:$0x3F90];
	s0 =	simm.s32 @p0 $0x1  }
0x13: {  	[smem:$0x3FAB] =	sst s0;
	s0 =	simm.s32 @!p1 $0x0  }
0x14: {  	s2 =	sld [smem:$0x3F8F];
	s0 =	simm.s32 @p1 $0x1  }
0x15: {  	[smem:$0x3FAC] =	sst s0;
	s0 =	simm.s32 @!p2 $0x0  }
0x16: {  	s3 =	sld [smem:$0x3FDB];
	s0 =	simm.s32 @p2 $0x1  }
0x17: {  	s4 =	simm.s32 $0x1BF5;
	[smem:$0x3FAE] =	sst s0  }
0x18: {  	s0 =	sld [smem:$0x3F91];
	_ =	swait.ge [sflag:s4], $0x0  }
0x19: {  	s7 =	sld [smem:$0x3F92]  }
0x1a: {  	s8 =	sadd.s32 $0xFFFFE003, lr  }
0x1b: {  	s9 =	sadd.s32 $0xFFFFFEF7, lr;
	s5 =	simm.s32 $0xFFFFFFFF;
	p2 =	slt.u32 s8, $0xFFFFF086  }
0x1c: {  	p1 =	slt.u32 s9, $0xF7A;
	s5 =	simm.s32 @!p2 $0x0  }
0x1d: {  	s5 =	simm.s32 @p1 $0x1;
	p0 =	seq.s32 s7, s2  }
0x1e: {  	s7 =	smul.u32 @!p0 $0xF7A, s2;
	p2 =	seq.s32 @!p0 s5, $0x0  }
0x1f: {  	s9 =	smul.u32 $0xF7A, s1;
	s8 =	simm.s32 @!p0 $0x1BF5;
	p2 =	por !p2, p0  }
0x20: {  	[sflag:s8] =	ssyncset.s32 @!p0 $0xFFFFF086;
	s6 =	sadd.s32 @!p0 s3, s7;
	s7 =	simm.s32 @!p0 $0x108  }
0x21: {  	s3 =	sadd.s32 s3, s9;
	s6 =	sadd.s32 @!p0 $0x88, s6;
	s7 =	simm.s32 @p2 $0x1082  }
0x22: {  	[simem:s7], [sflag:s8] =	dma.local @!p0 [hbm:s6], $0xF7A  }
0x23: {  	s9 =	sor.u32 $0xD0000000, s2;
	s6 =	simm.s32 $0x108;
	_ =	swait.ge @!p0 [sflag:s8], $0x0  }
0x24: {  	s3 =	sadd.s32 $0x88, s3;
	s6 =	simm.s32 @!p1 $0x1082;
	[sflag:s4] =	ssyncset.s32 $0xFFFFF086  }
0x25: {  	[simem:s6], [sflag:s4] =	dma.local [hbm:s3], $0xF7A  }
0x26: {  	[smem:$0x3F92] =	sst s1;
	(tag) =	ssettag s2;
	_ =	strace s9  }
0x27: {  	s1 =	sld [smem:$0x3FA2]  }
0x28: {  	s2 =	sld [smem:$0x3FA3]  }
0x29: {  	s4 =	sld [smem:$0x3FA5]  }
0x2a: {  	p0 =	seq.s32 s5, $0x0;
	s5 =	sld [smem:$0x3FA6]  }
0x2b: {  	s6 =	sld [smem:$0x3FA7]  }
0x2c: {  	s7 =	sld [smem:$0x3FA8]  }
0x2d: {  	s3 =	simm.s32 $0x108;
	s8 =	sld [smem:$0x3FA9]  }
0x2e: {  	s3 =	simm.s32 @!p0 $0x1082;
	s9 =	sld [smem:$0x3FAA]  }
0x2f: {  	lr =	sadd.s32 s0, s3;
	s0 =	sld [smem:$0x3FA1]  }
0x30: {  	s3 =	sld [smem:$0x3FA4]  }
0x31: {  	[smem:$0x3FAD] =	sst s10  }
0x32: {  	s10 =	sld [smem:$0x3FAB];
	_ =	sdelay $0x3  }
0x33: {  	p0 =	seq.s32 s10, $0x1;
	s10 =	sld [smem:$0x3FAD];
	_ =	sdelay $0x3  }
0x34: {  	[smem:$0x3FAD] =	sst s10  }
0x35: {  	s10 =	sld [smem:$0x3FAC];
	_ =	sdelay $0x3  }
0x36: {  	p1 =	seq.s32 s10, $0x1;
	s10 =	sld [smem:$0x3FAD];
	_ =	sdelay $0x3  }
0x37: {  	[smem:$0x3FAD] =	sst s10  }
0x38: {  	s10 =	sld [smem:$0x3FAE]  }
0x39: {  	_ = 	snop;
	(pc) =	sbr.ind lr, $3  }
0x3a: {  	_ = 	snop  }
0x3b: {  	_ = 	snop  }
0x3c: {  	p2 =	seq.s32 s10, $0x1;
	s10 =	sld [smem:$0x3FAD]  }
0x3d: {  	_ =	shalt  }
0x3e: {  	_ =	shalt  }
0x3f: {  	_ =	shalt  }
0x40: {  	_ =	shalt  }
0x41: {  	_ =	shalt  }
0x42: {  	_ =	shalt  }
0x43: {  	_ =	shalt  }
0x44: {  	_ =	shalt  }
0x45: {  	_ =	shalt  }
0x46: {  	_ =	shalt  }
0x47: {  	_ =	shalt  }
0x48: {  	_ =	shalt  }
0x49: {  	_ =	shalt  }
0x4a: {  	_ =	shalt  }
0x4b: {  	_ =	shalt  }
0x4c: {  	_ =	shalt  }
0x4d: {  	_ =	shalt  }
0x4e: {  	_ =	shalt  }
0x4f: {  	_ =	shalt  }
0x50: {  	_ =	shalt  }
0x51: {  	_ =	shalt  }
0x52: {  	_ =	shalt  }
0x53: {  	_ =	shalt  }
0x54: {  	_ =	shalt  }
0x55: {  	_ =	shalt  }
0x56: {  	_ =	shalt  }
0x57: {  	_ =	shalt  }
0x58: {  	_ =	shalt  }
0x59: {  	_ =	shalt  }
0x5a: {  	_ =	shalt  }
0x5b: {  	_ =	shalt  }
0x5c: {  	_ =	shalt  }
0x5d: {  	_ =	shalt  }
0x5e: {  	_ =	shalt  }
0x5f: {  	_ =	shalt  }
0x60: {  	_ =	shalt  }
0x61: {  	_ =	shalt  }
0x62: {  	_ =	shalt  }
0x63: {  	_ =	shalt  }
0x64: {  	_ =	shalt  }
0x65: {  	_ =	shalt  }
0x66: {  	_ =	shalt  }
0x67: {  	_ =	shalt  }
0x68: {  	_ =	shalt  }
0x69: {  	_ =	shalt  }
0x6a: {  	_ =	shalt  }
0x6b: {  	_ =	shalt  }
0x6c: {  	_ =	shalt  }
0x6d: {  	_ =	shalt  }
0x6e: {  	_ =	shalt  }
0x6f: {  	_ =	shalt  }
0x70: {  	_ =	shalt  }
0x71: {  	_ =	shalt  }
0x72: {  	_ =	shalt  }
0x73: {  	_ =	shalt  }
0x74: {  	_ =	shalt  }
0x75: {  	_ =	shalt  }
0x76: {  	_ =	shalt  }
0x77: {  	_ =	shalt  }
0x78: {  	_ =	shalt  }
0x79: {  	_ =	shalt  }
0x7a: {  	_ =	shalt  }
0x7b: {  	_ =	shalt  }
0x7c: {  	_ =	shalt  }
0x7d: {  	_ =	shalt  }
0x7e: {  	_ =	shalt  }
0x7f: {  	_ =	shalt  }
0x80: {  	_ =	shalt  }
0x81: {  	_ =	shalt  }
0x82: {  	_ =	shalt  }
0x83: {  	_ =	shalt  }
0x84: {  	_ =	shalt  }
0x85: {  	_ =	shalt  }
0x86: {  	_ =	shalt  }
0x87: {  	_ =	shalt  }
.Lfunc_end0:
.L_simem_size_0:
called_computation_lowered:
.L_overlay_start_0:
0x88: {  	s2 =	sld [smem:$0x3FD9]  }
0x89: {  	s3 =	sld [smem:$0x3FFE];
	_ =	sdelay $0x1  }
0x8a: {  	s1 =	srdreg.scid  }
0x8b: {  	s0 =	sand.u32 $0x1, s1  }
0x8c: {  	s17 =	sshll.u32 s0, $0xA;
	s2 =	sadd.s32 s3, s2  }
0x8d: {  	s2 =	sadd.s32 s2, s17  }
0x8e: {  	[smem:$0x3FB9] =	sst s2  }
0x8f: {  	_ = 	snop  }
0x90: {  	s2 =	sld [smem:$0x3FC9];
	(tm) =	ssettm $0x1  }
0x91: {  	s18 =	sld [smem:$0x3FFB];
	_ =	sdelay $0x3  }
0x92: {  	_ =	strace s18  }
0x93: {  	s3 =	sld [smem:$0x3FFC];
	_ =	sdelay $0x3  }
0x94: {  	_ =	strace s3  }
0x95: {  	s3 =	sld [smem:$0x3FFD];
	_ =	sdelay $0x3  }
0x96: {  	_ =	strace s3  }
0x97: {  	_ =	strace $0x8FFFFFFF  }
0x98: {  	s19 =	sld [smem:$0x3FDB];
	_ =	sdelay $0x1  }
0x99: {  	s4 =	simm.s32 $_scs_section_size  }
0x9a: {  	s5 =	simm.s32 $_size__tile_overlayer_lowered;
	s6 =	simm.s32 $_tile_overlayer_lowered  }
0x9b: {  	s22 =	simm.s32 $0x1BFF;
	s21 =	sshll.u32 s6, $0x1;
	s3 =	sadd.s32 s4, s19  }
0x9c: {  	s7 =	simm.s32 $0x0;
	s20 =	sshll.u32 s5, $0x1;
	s5 =	sadd.s32 s21, s3  }
0x9d: {  	[timem:s7], [sflag:s22] =	dma.local [hbm:s5], s20  }
0x9e: {  	_ =	swait.ge [sflag:s22], s20  }
0x9f: {  	s4 =	ssub.s32 $0x0, s20;
	[sflag:s22] =	ssyncset.done $0x0  }
0xa0: {  	[sflag:s22] =	ssyncadd.s32 s4;
	_ =	sdelay $0x1  }
0xa1: {  	s23 =	simm.s32 $0x1B8B  }
0xa2: {  	_ =	swait.ge [sflag:s23], $0x1  }
0xa3: {  	[sflag:s23] =	ssyncset.done $0x0  }
0xa4: {  	s25 =	simm.s32 $0x1B8E;
	s24 =	sld [smem:$0x3FFE];
	[sflag:s23] =	ssyncadd.s32 $0xFFFFFFFF  }
0xa5: {  	s26 =	simm.s32 $execute0_lowered;
	[smem:$0x3FD2] =	sst s25  }
0xa6: {  	s5 =	sshll.u32 s26, $0x1;
	_ =	strace $0x80000046;
	[dreg:$0x1] =	wrdreg $0xFFFFFFFF  }
0xa7: {  	s28 =	simm.s32 $_size_execute0_lowered;
	s3 =	sadd.s32 s3, s5;
	[dreg:$0x0] =	wrdreg $0x0  }
0xa8: {  	s5 =	sshll.u32 s28, $0x1;
	[dreg:$0x2] =	wrdreg s3  }
0xa9: {  	[dreg:$0x3] =	wrdreg s5  }
0xaa: {  	[dreg:$0x4] =	wrdreg $0xC0  }
0xab: {  	_ =	task [dreg:s7], $0x5FFFF  }
0xac: {  	[dreg:$0x1] =	wrdreg $0xFFFFFFFF  }
0xad: {  	[dreg:$0x0] =	wrdreg $0x60  }
0xae: {  	[dreg:$0x2] =	wrdreg s24  }
0xaf: {  	[dreg:$0x3] =	wrdreg s2  }
0xb0: {  	[dreg:$0x4] =	wrdreg $0x0  }
0xb1: {  	[dreg:$0x5] =	wrdreg $0x9  }
0xb2: {  	_ =	task.clear_ibuf [dreg:s7], $0x6FFFF;
	_ =	strace $0x90000046  }
0xb3: {  	s29 =	simm.s32 $0x9;
	_ =	strace $0x80000048  }
0xb4: {  	_ =	swait.ge [sflag:s29], $0x1  }
0xb5: {  	[sflag:s29] =	ssyncadd.s32 $0xFFFFFFFF  }
0xb6: {  	_ =	strace $0x90000048  }
0xb7: {  	_ =	sfence  }
0xb8: {  	s30 =	sld [smem:$0x0];
	_ =	sdelay $0x2  }
0xb9: {  	s31 =	sshll.u32 s1, $0xD;
	s1 =	sshrl.u32 s1, $0x2  }
0xba: {  	s3 =	sand.u32 $0x4000, s31;
	s1 =	sadd.s32 s1, s30  }
0xbb: {  	s0 =	sor.u32 s3, s0;
	s1 =	sshll.u32 s1, $0x11  }
0xbc: {  	s0 =	sor.u32 s1, s0  }
0xbd: {  	s0 =	sadd.s32 $0x8F2B, s0  }
0xbe: {  	[sflag:s0] =	ssyncadd.remote.s32 $0x1  }
0xbf: {  	_ =	sfence.sel $0xFFFF  }
0xc0: {  	[dreg:$0x0] =	wrdreg $0xFFFFFFFF;
	(pc) =	sbr.abs _section_cstart, $3  }
0xc1: {  	[dreg:$0x1] =	wrdreg $0xFFFFFFFF  }
0xc2: {  	_ =	task.clear_ibuf [dreg:s7], $0x2FFFF;
	_ =	strace $0x9FFFFFFF  }
0xc3: {  	(tm) =	ssettm $0x7FFFFFFF  }
tec
execute0_lowered:
.L_overlay_start_1:
0x0: {  	(tag) =	ssettag $0x1  }
0x1: {  	s6 =	rddreg [dreg:$0x0]  }
0x2: {  	s2 =	rddreg [dreg:$0x1]  }
0x3: {  	s0 =	srdreg.scid;
	s3 =	rddreg [dreg:$0x2];
	s4 =	simm.s32 $0x0  }
0x4: {  	s14 =	simm.s32 $0x16400;
	s5 =	sand.u32 $0x1, s0;
	s0 =	stileid.u32  }
0x5: {  	s15 =	simm.s32 $0x80;
	s16 =	simm.s32 $0x18C00;
	s8 =	smul.u32 $0x13C00, s0  }
0x6: {  	s17 =	simm.s32 $0x0;
	[smem:$0x7FF] =	sst s4;
	s9 =	smul.u32 $0x13C000, s5  }
0x7: {  	s1 =	sshll.u32 s5, $0x4;
	s5 =	ssub.s32 $0x2, s5;
	s29 =	smul.u32 $0x4F000, s0  }
0x8: {  	s31 =	sshll.u32 s0, $0x6;
	s1 =	sor.u32 s0, s1;
	s11 =	sshrl.u32 s5, $0x1  }
0x9: {  	s7 =	smul.u32 $0x500, s1;
	s1 =	rddreg [dreg:$0x3];
	_ =	strace $0x80000047  }
0xa: {  	s28 =	sshrl.u32 s8, $0x3;
	s8 =	sadd.s32 s8, s9;
	s30 =	sshrl.u32 s29, $0x2  }
0xb: {  	s11 =	ssub.s32 s5, s11;
	s8 =	sshrl.u32 s8, $0x3;
	s13 =	sadd.s32 s30, s3  }
0xc: {  	s10 =	sadd.s32 s7, s6;
	s7 =	sadd.s32 s28, s6;
	s12 =	sadd.s32 s8, s6  }
0xd: {  	s6 =	sor.u32 $0x1C01, s31;
	s5 =	sadd.s32 $0x16A00, s7;
	s7 =	sadd.s32 $0xCA00, s10  }
0xe: {  	s8 =	sadd.s32 $0x2A00, s10;
	s9 =	sadd.s32 $0x3E200, s12;
	s10 =	smax.u32 s11, $0x1  }
0xf: {  	s11 =	sshrl.u32 s13, $0x3;
	s12 =	simm.s32 $0x1;
	s13 =	simm.s32 $0x13C00  }
.LBB2_1:
0x10: {  	[spmem:s11], [sflag:s6] =	dma.local [hbm:s5], $0x2780  }
0x11: {  	_ =	swait.ge [sflag:s12], $0x2780  }
0x12: {  	[sflag:s12] =	ssyncset.done $0x0  }
0x13: {  	[sflag:s12] =	ssyncadd.s32 $0xFFFFD880  }
0x14: {  	[bflag:$0x0] =	sbarrier.arrive $0xFFFF  }
0x15: {  	[tilespmem:s13], [sflag:$0x1] =	stream.linear.gather [hbm4b:s7+s4], $0x2780, $0x38;
	[tilespmem:$0x1CC00] =	vst v63  }
0x16: {  	_ =	swait.ge [sflag:s12], $0x2780  }
0x17: {  	[sflag:s12] =	ssyncset.done $0x0  }
0x18: {  	[sflag:s12] =	ssyncadd.s32 $0xFFFFD880  }
0x19: {  	[tilespmem:s14], [sflag:$0x1] =	stream.linear.gather [hbm4b:s8+s4], $0x2780, $0x38;
	[tilespmem:$0x1CC00] =	vst v63  }
0x1a: {  	_ =	swait.ge [sflag:s12], $0x2780  }
0x1b: {  	[sflag:s12] =	ssyncset.done $0x0  }
0x1c: {  	s18 =	simm.s32 $0x13C00;
	[sflag:s12] =	ssyncadd.s32 $0xFFFFD880  }
0x1d: {  	[tilespmem:s16], [sflag:$0x1] =	stream.indirect.gather [hbm4b:s2+s15], $0x80, s18, s15, $0xb8;
	[tilespmem:$0x1CC00] =	vst v63  }
0x1e: {  	_ =	swait.ge [sflag:s12], $0x4000  }
0x1f: {  	[sflag:s12] =	ssyncset.done $0x0  }
0x20: {  	s31 =	simm.s32 $0x16400;
	[sflag:s12] =	ssyncadd.s32 $0xFFFFC000  }
0x21: {  	[spmem:s3] =	stream.indirect.scatter.add.f32 [tilespmem:s16], [sflag:$0x1], $0x80, s31, s15, $0xb8;
	[tilespmem:$0x1CC00] =	vst v63  }
0x22: {  	_ =	swait.ge [sflag:s12], $0x4000  }
0x23: {  	s19 =	simm.s32 $0x400;
	s18 =	simm.s32 $0x80;
	[sflag:s12] =	ssyncset.done $0x0  }
.LBB2_2:
0x24: {  	s20 =	sadd.s32 $0x13C00, s18  }
0x25: {  	[sflag:s12] =	ssyncadd.s32 $0xFFFFC000;
	s21 =	smov.u32 s19;
	s22 =	sadd.s32 $0x200, s19  }
0x26: {  	[tilespmem:s16], [sflag:$0x1] =	stream.indirect.gather [hbm4b:s2+s15], $0x80, s20, s15, $0xb8;
	[tilespmem:$0x1CC00] =	vst v63  }
0x27: {  	p0 =	sne.s32 s19, $0x9C00;
	_ =	swait.ge [sflag:s12], $0x4000  }
.Ltmp0:
0x28: {  	[sflag:s12] =	ssyncset.done $0x0;
	(pc) =	sbr.rel @p0 .LBB2_2-.Ltmp0, $4  }
0x29: {  	s18 =	sadd.s32 $0x16400, s18;
	[sflag:s12] =	ssyncadd.s32 $0xFFFFC000  }
0x2a: {  	[spmem:s3] =	stream.indirect.scatter.add.f32 [tilespmem:s16], [sflag:$0x1], $0x80, s18, s15, $0xb8;
	[tilespmem:$0x1CC00] =	vst v63  }
0x2b: {  	_ =	swait.ge [sflag:s12], $0x4000  }
0x2c: {  	s19 =	smov.u32 s22;
	s18 =	sshra.s32 s21, $0x2;
	[sflag:s12] =	ssyncset.done $0x0  }
0x2d: {  	s19 =	sadd.s32 $0x13C00, s18;
	[sflag:s12] =	ssyncadd.s32 $0xFFFFC000  }
0x2e: {  	[tilespmem:s16], [sflag:$0x1] =	stream.indirect.gather [hbm4b:s2+s15], $0x80, s19, s15, $0xb8;
	[tilespmem:$0x1CC00] =	vst v63  }
0x2f: {  	_ =	swait.ge [sflag:s12], $0x4000  }
0x30: {  	[sflag:s12] =	ssyncset.done $0x0  }
0x31: {  	s31 =	sadd.s32 $0x16400, s18;
	[sflag:s12] =	ssyncadd.s32 $0xFFFFC000  }
0x32: {  	[spmem:s3] =	stream.indirect.scatter.add.f32 [tilespmem:s16], [sflag:$0x1], $0x80, s31, s15, $0xb8;
	[tilespmem:$0x1CC00] =	vst v63  }
0x33: {  	_ =	swait.ge [sflag:s12], $0x4000  }
0x34: {  	s17 =	sadd.s32 $0x1, s17;
	[sflag:s12] =	ssyncset.done $0x0  }
0x35: {  	p0 =	sne.s32 s17, s10;
	[sflag:s12] =	ssyncadd.s32 $0xFFFFC000  }
.Ltmp1:
0x36: {  	[bflag:$0x0] =	sbarrier.arrive $0xFFFF;
	(pc) =	sbr.rel @p0 .LBB2_1-.Ltmp1, $4  }
0x37: {  	[hbm:s9], [sflag:s6] =	dma.local [spmem:s11], $0x2780  }
0x38: {  	_ =	swait.ge [sflag:s12], $0x2780  }
0x39: {  	[sflag:s12] =	ssyncset.done $0x0  }
0x3a: {  	[sflag:s12] =	ssyncadd.s32 $0xFFFFD880  }
0x3b: {  	_ =	sfence.sel $0x180000  }
0x3c: {  	[bflag:$0x0] =	sbarrier.arrive $0xFFFF  }
0x3d: {  	p0 =	sne.s32 s0, $0x0;
	_ =	strace $0x90000047  }
0x3e: {  	s0 =	sadd.s32 @!p0 $0x100000, s1;
	[bflag:$0x2] =	sbarrier.arrive $0xFFFF  }
0x3f: {  	[sflag:s0] =	ssyncadd.tile.s32 @!p0 $0x1;
	_ =	shalt  }
.Lfunc_end2:
_tile_overlayer_lowered:
.L_overlay_start_2:
0x40: {  	(tag) =	ssettag $0x2  }
0x41: {  	s0 =	rddreg [dreg:$0x0];
	s2 =	stileid.u32  }
0x42: {  	s1 =	rddreg [dreg:$0x1];
	p0 =	sne.s32 s2, $0x0  }
0x43: {  	s3 =	rddreg [dreg:$0x2];
	[bflag:$0x3] =	sbarrier.arrive $0xFFFF;
	s2 =	simm.s32 @!p0 $0x1C01  }
0x44: {  	[timem:s3], [sflag:s2] =	dma.local @!p0 [hbm:s0], s1  }
0x45: {  	s0 =	simm.s32 @!p0 $0x1  }
0x46: {  	_ =	swait.ge @!p0 [sflag:s0], s1  }
0x47: {  	s1 =	ssub.s32 @!p0 $0x0, s1;
	[sflag:s0] =	ssyncset.done @!p0 $0x0  }
0x48: {  	[sflag:s0] =	ssyncadd.s32 @!p0 s1  }
0x49: {  	[bflag:$0x3] =	sbarrier.arrive $0xFFFF  }
0x4a: {  	_ =	shalt  }

// kernel: kernel.9.cloned.1.call-start
scs
__scs_entry_jumppad:
0x0: {  	(pc) =	sbr.rel $0x88, $3  }
0x1: {  	(tag) =	ssettag $0x0;
	lr =	simm.s32 $0x1  }
0x2: {  	[smem:$0x3F92] =	sst lr;
	_ =	strace $0xD0000000  }
0x3: {  	_ = 	snop  }
0x4: {  	_ = 	snop  }
0x5: {  	_ = 	snop  }
0x6: {  	_ = 	snop  }
0x7: {  	_ = 	snop  }
__scs_overlays_trampoline_lowered:
0x8: {  	[smem:$0x3FA1] =	sst s0  }
0x9: {  	[smem:$0x3FA2] =	sst s1  }
0xa: {  	[smem:$0x3FA3] =	sst s2  }
0xb: {  	[smem:$0x3FA4] =	sst s3  }
0xc: {  	[smem:$0x3FA5] =	sst s4  }
0xd: {  	[smem:$0x3FA6] =	sst s5  }
0xe: {  	[smem:$0x3FA7] =	sst s6  }
0xf: {  	[smem:$0x3FA8] =	sst s7  }
0x10: {  	[smem:$0x3FA9] =	sst s8  }
0x11: {  	[smem:$0x3FAA] =	sst s9;
	s0 =	simm.s32 @!p0 $0x0  }
0x12: {  	s1 =	sld [smem:$0x3F90];
	s0 =	simm.s32 @p0 $0x1  }
0x13: {  	[smem:$0x3FAB] =	sst s0;
	s0 =	simm.s32 @!p1 $0x0  }
0x14: {  	s2 =	sld [smem:$0x3F8F];
	s0 =	simm.s32 @p1 $0x1  }
0x15: {  	[smem:$0x3FAC] =	sst s0;
	s0 =	simm.s32 @!p2 $0x0  }
0x16: {  	s3 =	sld [smem:$0x3FDB];
	s0 =	simm.s32 @p2 $0x1  }
0x17: {  	s4 =	simm.s32 $0x1BF5;
	[smem:$0x3FAE] =	sst s0  }
0x18: {  	s0 =	sld [smem:$0x3F91];
	_ =	swait.ge [sflag:s4], $0x0  }
0x19: {  	s7 =	sld [smem:$0x3F92]  }
0x1a: {  	s8 =	sadd.s32 $0xFFFFE003, lr  }
0x1b: {  	s9 =	sadd.s32 $0xFFFFFEF7, lr;
	s5 =	simm.s32 $0xFFFFFFFF;
	p2 =	slt.u32 s8, $0xFFFFF086  }
0x1c: {  	p1 =	slt.u32 s9, $0xF7A;
	s5 =	simm.s32 @!p2 $0x0  }
0x1d: {  	s5 =	simm.s32 @p1 $0x1;
	p0 =	seq.s32 s7, s2  }
0x1e: {  	s7 =	smul.u32 @!p0 $0xF7A, s2;
	p2 =	seq.s32 @!p0 s5, $0x0  }
0x1f: {  	s9 =	smul.u32 $0xF7A, s1;
	s8 =	simm.s32 @!p0 $0x1BF5;
	p2 =	por !p2, p0  }
0x20: {  	[sflag:s8] =	ssyncset.s32 @!p0 $0xFFFFF086;
	s6 =	sadd.s32 @!p0 s3, s7;
	s7 =	simm.s32 @!p0 $0x108  }
0x21: {  	s3 =	sadd.s32 s3, s9;
	s6 =	sadd.s32 @!p0 $0x88, s6;
	s7 =	simm.s32 @p2 $0x1082  }
0x22: {  	[simem:s7], [sflag:s8] =	dma.local @!p0 [hbm:s6], $0xF7A  }
0x23: {  	s9 =	sor.u32 $0xD0000000, s2;
	s6 =	simm.s32 $0x108;
	_ =	swait.ge @!p0 [sflag:s8], $0x0  }
0x24: {  	s3 =	sadd.s32 $0x88, s3;
	s6 =	simm.s32 @!p1 $0x1082;
	[sflag:s4] =	ssyncset.s32 $0xFFFFF086  }
0x25: {  	[simem:s6], [sflag:s4] =	dma.local [hbm:s3], $0xF7A  }
0x26: {  	[smem:$0x3F92] =	sst s1;
	(tag) =	ssettag s2;
	_ =	strace s9  }
0x27: {  	s1 =	sld [smem:$0x3FA2]  }
0x28: {  	s2 =	sld [smem:$0x3FA3]  }
0x29: {  	s4 =	sld [smem:$0x3FA5]  }
0x2a: {  	p0 =	seq.s32 s5, $0x0;
	s5 =	sld [smem:$0x3FA6]  }
0x2b: {  	s6 =	sld [smem:$0x3FA7]  }
0x2c: {  	s7 =	sld [smem:$0x3FA8]  }
0x2d: {  	s3 =	simm.s32 $0x108;
	s8 =	sld [smem:$0x3FA9]  }
0x2e: {  	s3 =	simm.s32 @!p0 $0x1082;
	s9 =	sld [smem:$0x3FAA]  }
0x2f: {  	lr =	sadd.s32 s0, s3;
	s0 =	sld [smem:$0x3FA1]  }
0x30: {  	s3 =	sld [smem:$0x3FA4]  }
0x31: {  	[smem:$0x3FAD] =	sst s10  }
0x32: {  	s10 =	sld [smem:$0x3FAB];
	_ =	sdelay $0x3  }
0x33: {  	p0 =	seq.s32 s10, $0x1;
	s10 =	sld [smem:$0x3FAD];
	_ =	sdelay $0x3  }
0x34: {  	[smem:$0x3FAD] =	sst s10  }
0x35: {  	s10 =	sld [smem:$0x3FAC];
	_ =	sdelay $0x3  }
0x36: {  	p1 =	seq.s32 s10, $0x1;
	s10 =	sld [smem:$0x3FAD];
	_ =	sdelay $0x3  }
0x37: {  	[smem:$0x3FAD] =	sst s10  }
0x38: {  	s10 =	sld [smem:$0x3FAE]  }
0x39: {  	_ = 	snop;
	(pc) =	sbr.ind lr, $3  }
0x3a: {  	_ = 	snop  }
0x3b: {  	_ = 	snop  }
0x3c: {  	p2 =	seq.s32 s10, $0x1;
	s10 =	sld [smem:$0x3FAD]  }
0x3d: {  	_ =	shalt  }
0x3e: {  	_ =	shalt  }
0x3f: {  	_ =	shalt  }
0x40: {  	_ =	shalt  }
0x41: {  	_ =	shalt  }
0x42: {  	_ =	shalt  }
0x43: {  	_ =	shalt  }
0x44: {  	_ =	shalt  }
0x45: {  	_ =	shalt  }
0x46: {  	_ =	shalt  }
0x47: {  	_ =	shalt  }
0x48: {  	_ =	shalt  }
0x49: {  	_ =	shalt  }
0x4a: {  	_ =	shalt  }
0x4b: {  	_ =	shalt  }
0x4c: {  	_ =	shalt  }
0x4d: {  	_ =	shalt  }
0x4e: {  	_ =	shalt  }
0x4f: {  	_ =	shalt  }
0x50: {  	_ =	shalt  }
0x51: {  	_ =	shalt  }
0x52: {  	_ =	shalt  }
0x53: {  	_ =	shalt  }
0x54: {  	_ =	shalt  }
0x55: {  	_ =	shalt  }
0x56: {  	_ =	shalt  }
0x57: {  	_ =	shalt  }
0x58: {  	_ =	shalt  }
0x59: {  	_ =	shalt  }
0x5a: {  	_ =	shalt  }
0x5b: {  	_ =	shalt  }
0x5c: {  	_ =	shalt  }
0x5d: {  	_ =	shalt  }
0x5e: {  	_ =	shalt  }
0x5f: {  	_ =	shalt  }
0x60: {  	_ =	shalt  }
0x61: {  	_ =	shalt  }
0x62: {  	_ =	shalt  }
0x63: {  	_ =	shalt  }
0x64: {  	_ =	shalt  }
0x65: {  	_ =	shalt  }
0x66: {  	_ =	shalt  }
0x67: {  	_ =	shalt  }
0x68: {  	_ =	shalt  }
0x69: {  	_ =	shalt  }
0x6a: {  	_ =	shalt  }
0x6b: {  	_ =	shalt  }
0x6c: {  	_ =	shalt  }
0x6d: {  	_ =	shalt  }
0x6e: {  	_ =	shalt  }
0x6f: {  	_ =	shalt  }
0x70: {  	_ =	shalt  }
0x71: {  	_ =	shalt  }
0x72: {  	_ =	shalt  }
0x73: {  	_ =	shalt  }
0x74: {  	_ =	shalt  }
0x75: {  	_ =	shalt  }
0x76: {  	_ =	shalt  }
0x77: {  	_ =	shalt  }
0x78: {  	_ =	shalt  }
0x79: {  	_ =	shalt  }
0x7a: {  	_ =	shalt  }
0x7b: {  	_ =	shalt  }
0x7c: {  	_ =	shalt  }
0x7d: {  	_ =	shalt  }
0x7e: {  	_ =	shalt  }
0x7f: {  	_ =	shalt  }
0x80: {  	_ =	shalt  }
0x81: {  	_ =	shalt  }
0x82: {  	_ =	shalt  }
0x83: {  	_ =	shalt  }
0x84: {  	_ =	shalt  }
0x85: {  	_ =	shalt  }
0x86: {  	_ =	shalt  }
0x87: {  	_ =	shalt  }
.Lfunc_end0:
.L_simem_size_0:
called_computation.1_lowered:
.L_overlay_start_0:
0x88: {  	s2 =	sld [smem:$0x3FD9]  }
0x89: {  	s3 =	sld [smem:$0x3FFE];
	_ =	sdelay $0x1  }
0x8a: {  	s1 =	srdreg.scid  }
0x8b: {  	s0 =	sand.u32 $0x1, s1  }
0x8c: {  	s16 =	sshll.u32 s0, $0xA;
	s2 =	sadd.s32 s3, s2  }
0x8d: {  	s2 =	sadd.s32 s2, s16  }
0x8e: {  	[smem:$0x3FB9] =	sst s2  }
0x8f: {  	_ = 	snop  }
0x90: {  	(tm) =	ssettm $0x1  }
0x91: {  	s17 =	sld [smem:$0x3FFB];
	_ =	sdelay $0x3  }
0x92: {  	_ =	strace s17  }
0x93: {  	s2 =	sld [smem:$0x3FFC];
	_ =	sdelay $0x3  }
0x94: {  	_ =	strace s2  }
0x95: {  	s2 =	sld [smem:$0x3FFD];
	_ =	sdelay $0x3  }
0x96: {  	_ =	strace s2  }
0x97: {  	_ =	strace $0x8FFFFFFF  }
0x98: {  	s18 =	sld [smem:$0x3FDB];
	_ =	sdelay $0x1  }
0x99: {  	s19 =	simm.s32 $_scs_section_size  }
0x9a: {  	s4 =	simm.s32 $_size__tile_overlayer_lowered;
	s5 =	simm.s32 $_tile_overlayer_lowered  }
0x9b: {  	s22 =	simm.s32 $0x1BFF;
	s21 =	sshll.u32 s5, $0x1;
	s2 =	sadd.s32 s19, s18  }
0x9c: {  	s6 =	simm.s32 $0x0;
	s20 =	sshll.u32 s4, $0x1;
	s4 =	sadd.s32 s21, s2  }
0x9d: {  	[timem:s6], [sflag:s22] =	dma.local [hbm:s4], s20  }
0x9e: {  	_ =	swait.ge [sflag:s22], s20  }
0x9f: {  	s3 =	ssub.s32 $0x0, s20;
	[sflag:s22] =	ssyncset.done $0x0  }
0xa0: {  	[sflag:s22] =	ssyncadd.s32 s3;
	_ =	sdelay $0x1  }
0xa1: {  	s23 =	simm.s32 $0x1B8B  }
0xa2: {  	_ =	swait.ge [sflag:s23], $0x1  }
0xa3: {  	[sflag:s23] =	ssyncset.done $0x0  }
0xa4: {  	s25 =	simm.s32 $0x1B8E;
	s24 =	sld [smem:$0x3FFE];
	[sflag:s23] =	ssyncadd.s32 $0xFFFFFFFF  }
0xa5: {  	s26 =	simm.s32 $execute0_lowered;
	[smem:$0x3FD2] =	sst s25  }
0xa6: {  	s4 =	sshll.u32 s26, $0x1;
	_ =	strace $0x80000049;
	[dreg:$0x1] =	wrdreg $0xFFFFFFFF  }
0xa7: {  	s28 =	simm.s32 $_size_execute0_lowered;
	s2 =	sadd.s32 s2, s4;
	[dreg:$0x0] =	wrdreg $0x0  }
0xa8: {  	s4 =	sshll.u32 s28, $0x1;
	[dreg:$0x2] =	wrdreg s2  }
0xa9: {  	[dreg:$0x3] =	wrdreg s4  }
0xaa: {  	[dreg:$0x4] =	wrdreg $0xC0  }
0xab: {  	_ =	task [dreg:s6], $0x5FFFF  }
0xac: {  	[dreg:$0x1] =	wrdreg $0xFFFFFFFF  }
0xad: {  	[dreg:$0x0] =	wrdreg $0x60  }
0xae: {  	[dreg:$0x2] =	wrdreg s24  }
0xaf: {  	[dreg:$0x3] =	wrdreg $0x0  }
0xb0: {  	[dreg:$0x4] =	wrdreg $0x9  }
0xb1: {  	_ =	task.clear_ibuf [dreg:s6], $0x5FFFF;
	_ =	strace $0x90000049  }
0xb2: {  	s29 =	simm.s32 $0x9;
	_ =	strace $0x8000004B  }
0xb3: {  	_ =	swait.ge [sflag:s29], $0x1  }
0xb4: {  	[sflag:s29] =	ssyncadd.s32 $0xFFFFFFFF  }
0xb5: {  	_ =	strace $0x9000004B  }
0xb6: {  	_ =	sfence  }
0xb7: {  	s30 =	sld [smem:$0x0];
	_ =	sdelay $0x2  }
0xb8: {  	s31 =	sshll.u32 s1, $0xD;
	s1 =	sshrl.u32 s1, $0x2  }
0xb9: {  	s3 =	sand.u32 $0x4000, s31;
	s1 =	sadd.s32 s1, s30  }
0xba: {  	s0 =	sor.u32 s3, s0;
	s1 =	sshll.u32 s1, $0x11  }
0xbb: {  	s0 =	sor.u32 s1, s0  }
0xbc: {  	s0 =	sadd.s32 $0x8F2B, s0  }
0xbd: {  	[sflag:s0] =	ssyncadd.remote.s32 $0x1  }
0xbe: {  	_ =	sfence.sel $0xFFFF  }
0xbf: {  	[dreg:$0x0] =	wrdreg $0xFFFFFFFF;
	(pc) =	sbr.abs _section_cstart, $3  }
0xc0: {  	[dreg:$0x1] =	wrdreg $0xFFFFFFFF  }
0xc1: {  	_ =	task.clear_ibuf [dreg:s6], $0x2FFFF;
	_ =	strace $0x9FFFFFFF  }
0xc2: {  	(tm) =	ssettm $0x7FFFFFFF  }
0xc3: {  	_ =	shalt  }
tec
execute0_lowered:
.L_overlay_start_1:
0x0: {  	(tag) =	ssettag $0x1  }
0x1: {  	s0 =	srdreg.scid;
	s6 =	rddreg [dreg:$0x0]  }
0x2: {  	s2 =	rddreg [dreg:$0x1];
	s3 =	simm.s32 $0x0;
	s14 =	simm.s32 $0x16400  }
0x3: {  	s15 =	simm.s32 $0x80;
	s5 =	sand.u32 $0x1, s0;
	s0 =	stileid.u32  }
0x4: {  	s16 =	simm.s32 $0x18C00;
	s17 =	simm.s32 $0x0;
	s7 =	smul.u32 $0x13C00, s0  }
0x5: {  	[smem:$0x7FF] =	sst s3;
	s1 =	sshll.u32 s5, $0x4;
	s8 =	smul.u32 $0x13C000, s5  }
0x6: {  	s5 =	ssub.s32 $0x2, s5;
	s29 =	smul.u32 $0x4F000, s0;
	s31 =	sshll.u32 s0, $0x6  }
0x7: {  	s4 =	sor.u32 s0, s1;
	s1 =	rddreg [dreg:$0x2];
	_ =	strace $0x8000004A  }
0x8: {  	s11 =	sshrl.u32 s5, $0x1;
	s4 =	smul.u32 $0x500, s4;
	s10 =	sshrl.u32 s7, $0x3  }
0x9: {  	s7 =	sadd.s32 s7, s8;
	s11 =	ssub.s32 s5, s11;
	s30 =	sshrl.u32 s29, $0x2  }
0xa: {  	s10 =	sadd.s32 s10, s6;
	s7 =	sshrl.u32 s7, $0x3;
	s13 =	sadd.s32 s30, s2  }
0xb: {  	s9 =	sadd.s32 s4, s6;
	s4 =	sadd.s32 $0x3E200, s6;
	s12 =	sadd.s32 s7, s6  }
0xc: {  	s5 =	sadd.s32 $0x16A00, s10;
	s6 =	sor.u32 $0x1C01, s31;
	s10 =	smax.u32 s11, $0x1  }
0xd: {  	s11 =	sshrl.u32 s13, $0x3;
	s13 =	simm.s32 $0x13C00;
	s7 =	sadd.s32 $0xCA00, s9  }
0xe: {  	s8 =	sadd.s32 $0x2A00, s9;
	s9 =	sadd.s32 $0x65400, s12;
	s12 =	simm.s32 $0x1  }
.LBB2_1:
0xf: {  	[spmem:s11], [sflag:s6] =	dma.local [hbm:s5], $0x2780  }
0x10: {  	_ =	swait.ge [sflag:s12], $0x2780  }
0x11: {  	[sflag:s12] =	ssyncset.done $0x0  }
0x12: {  	[sflag:s12] =	ssyncadd.s32 $0xFFFFD880  }
0x13: {  	[bflag:$0x0] =	sbarrier.arrive $0xFFFF  }
0x14: {  	[tilespmem:s13], [sflag:$0x1] =	stream.linear.gather [hbm4b:s7+s3], $0x2780, $0x38;
	[tilespmem:$0x1CC00] =	vst v63  }
0x15: {  	_ =	swait.ge [sflag:s12], $0x2780  }
0x16: {  	[sflag:s12] =	ssyncset.done $0x0  }
0x17: {  	[sflag:s12] =	ssyncadd.s32 $0xFFFFD880  }
0x18: {  	[tilespmem:s14], [sflag:$0x1] =	stream.linear.gather [hbm4b:s8+s3], $0x2780, $0x38;
	[tilespmem:$0x1CC00] =	vst v63  }
0x19: {  	_ =	swait.ge [sflag:s12], $0x2780  }
0x1a: {  	[sflag:s12] =	ssyncset.done $0x0  }
0x1b: {  	s18 =	simm.s32 $0x13C00;
	[sflag:s12] =	ssyncadd.s32 $0xFFFFD880  }
0x1c: {  	[tilespmem:s16], [sflag:$0x1] =	stream.indirect.gather [hbm4b:s4+s15], $0x80, s18, s15, $0xb8;
	[tilespmem:$0x1CC00] =	vst v63  }
0x1d: {  	_ =	swait.ge [sflag:s12], $0x4000  }
0x1e: {  	[sflag:s12] =	ssyncset.done $0x0  }
0x1f: {  	s31 =	simm.s32 $0x16400;
	[sflag:s12] =	ssyncadd.s32 $0xFFFFC000  }
0x20: {  	[spmem:s2] =	stream.indirect.scatter.add.f32 [tilespmem:s16], [sflag:$0x1], $0x80, s31, s15, $0xb8;
	[tilespmem:$0x1CC00] =	vst v63  }
0x21: {  	_ =	swait.ge [sflag:s12], $0x4000  }
0x22: {  	s19 =	simm.s32 $0x400;
	s18 =	simm.s32 $0x80;
	[sflag:s12] =	ssyncset.done $0x0  }
.LBB2_2:
0x23: {  	s20 =	sadd.s32 $0x13C00, s18  }
0x24: {  	[sflag:s12] =	ssyncadd.s32 $0xFFFFC000;
	s21 =	smov.u32 s19;
	s22 =	sadd.s32 $0x200, s19  }
0x25: {  	[tilespmem:s16], [sflag:$0x1] =	stream.indirect.gather [hbm4b:s4+s15], $0x80, s20, s15, $0xb8;
	[tilespmem:$0x1CC00] =	vst v63  }
0x26: {  	p0 =	sne.s32 s19, $0x9C00;
	_ =	swait.ge [sflag:s12], $0x4000  }
.Ltmp0:
0x27: {  	[sflag:s12] =	ssyncset.done $0x0;
	(pc) =	sbr.rel @p0 .LBB2_2-.Ltmp0, $4  }
0x28: {  	s18 =	sadd.s32 $0x16400, s18;
	[sflag:s12] =	ssyncadd.s32 $0xFFFFC000  }
0x29: {  	[spmem:s2] =	stream.indirect.scatter.add.f32 [tilespmem:s16], [sflag:$0x1], $0x80, s18, s15, $0xb8;
	[tilespmem:$0x1CC00] =	vst v63  }
0x2a: {  	_ =	swait.ge [sflag:s12], $0x4000  }
0x2b: {  	s19 =	smov.u32 s22;
	s18 =	sshra.s32 s21, $0x2;
	[sflag:s12] =	ssyncset.done $0x0  }
0x2c: {  	s19 =	sadd.s32 $0x13C00, s18;
	[sflag:s12] =	ssyncadd.s32 $0xFFFFC000  }
0x2d: {  	[tilespmem:s16], [sflag:$0x1] =	stream.indirect.gather [hbm4b:s4+s15], $0x80, s19, s15, $0xb8;
	[tilespmem:$0x1CC00] =	vst v63  }
0x2e: {  	_ =	swait.ge [sflag:s12], $0x4000  }
0x2f: {  	[sflag:s12] =	ssyncset.done $0x0  }
0x30: {  	s31 =	sadd.s32 $0x16400, s18;
	[sflag:s12] =	ssyncadd.s32 $0xFFFFC000  }
0x31: {  	[spmem:s2] =	stream.indirect.scatter.add.f32 [tilespmem:s16], [sflag:$0x1], $0x80, s31, s15, $0xb8;
	[tilespmem:$0x1CC00] =	vst v63  }
0x32: {  	_ =	swait.ge [sflag:s12], $0x4000  }
0x33: {  	s17 =	sadd.s32 $0x1, s17;
	[sflag:s12] =	ssyncset.done $0x0  }
0x34: {  	p0 =	sne.s32 s17, s10;
	[sflag:s12] =	ssyncadd.s32 $0xFFFFC000  }
.Ltmp1:
0x35: {  	[bflag:$0x0] =	sbarrier.arrive $0xFFFF;
	(pc) =	sbr.rel @p0 .LBB2_1-.Ltmp1, $4  }
0x36: {  	[hbm:s9], [sflag:s6] =	dma.local [spmem:s11], $0x2780  }
0x37: {  	_ =	swait.ge [sflag:s12], $0x2780  }
0x38: {  	[sflag:s12] =	ssyncset.done $0x0  }
0x39: {  	[sflag:s12] =	ssyncadd.s32 $0xFFFFD880  }
0x3a: {  	_ =	sfence.sel $0x180000  }
0x3b: {  	[bflag:$0x0] =	sbarrier.arrive $0xFFFF  }
0x3c: {  	p0 =	sne.s32 s0, $0x0;
	_ =	strace $0x9000004A  }
0x3d: {  	s0 =	sadd.s32 @!p0 $0x100000, s1;
	[bflag:$0x2] =	sbarrier.arrive $0xFFFF  }
0x3e: {  	[sflag:s0] =	ssyncadd.tile.s32 @!p0 $0x1;
	_ =	shalt  }
.Lfunc_end2:
_tile_overlayer_lowered:
.L_overlay_start_2:
0x3f: {  	(tag) =	ssettag $0x2  }
0x40: {  	s0 =	rddreg [dreg:$0x0];
	s2 =	stileid.u32  }
0x41: {  	s1 =	rddreg [dreg:$0x1];
	p0 =	sne.s32 s2, $0x0  }
0x42: {  	s3 =	rddreg [dreg:$0x2];
	[bflag:$0x3] =	sbarrier.arrive $0xFFFF;
	s2 =	simm.s32 @!p0 $0x1C01  }
0x43: {  	[timem:s3], [sflag:s2] =	dma.local @!p0 [hbm:s0], s1  }
0x44: {  	s0 =	simm.s32 @!p0 $0x1  }
0x45: {  	_ =	swait.ge @!p0 [sflag:s0], s1  }
0x46: {  	s1 =	ssub.s32 @!p0 $0x0, s1;
	[sflag:s0] =	ssyncset.done @!p0 $0x0  }
0x47: {  	[sflag:s0] =	ssyncadd.s32 @!p0 s1  }
0x48: {  	[bflag:$0x3] =	sbarrier.arrive $0xFFFF  }
0x49: {  	_ =	shalt  }

</sc_bundles>
